<compile_context>
chip_gen: v7x
topology: tpu7x:2x2x1
jax: 0.10.2.dev20260603
libtpu: 0.0.44.dev20260713+nightly
codegen_flags: <defaults>
</compile_context>

<pallas_src>
import functools

import jax
import jax.numpy as jnp
from jax import lax
from jax.experimental import pallas as pl
from jax.experimental.pallas import tpu as pltpu
from jax.experimental.pallas import tpu_sc as plsc

_B, _T = 16384, 4096
_HEAD = 128
_SWAPW = 16
_NW = 32
_RPW = _B // _NW
_GR = 512


_SC_C = 128
_SC_CHUNKS = _RPW // _SC_C


def _sc_head_swap_body(tokens_hbm, head_hbm, b0, b1, si0, si1, so0, so1):
    wid = lax.axis_index("s") * 2 + lax.axis_index("c")
    base = wid * _RPW
    bufs = (b0, b1)
    sin = (si0, si1)
    sout = (so0, so1)

    iot = lax.iota(jnp.int32, _SWAPW)
    perm = jnp.where(iot == 0, 1, jnp.where(iot == 1, 0, iot))
    dnums = lax.GatherDimensionNumbers(
        offset_dims=(), collapsed_slice_dims=(0,), start_index_map=(0,))

    def swap_chunk(buf):
        def step8(i, carry):
            for k in range(8):
                r = i * 8 + k
                v = buf[r, pl.ds(0, _SWAPW)]
                buf[r, pl.ds(0, _SWAPW)] = lax.gather(
                    v, perm[:, None], dimension_numbers=dnums,
                    slice_sizes=(1,),
                    mode=lax.GatherScatterMode.PROMISE_IN_BOUNDS)
            return carry

        lax.fori_loop(0, _SC_C // 8, step8, 0)

    def src(g):
        return tokens_hbm.at[pl.ds(base + g * _SC_C, _SC_C), pl.ds(0, _HEAD)]

    def dst(g):
        return head_hbm.at[pl.ds(base + g * _SC_C, _SC_C), pl.ds(0, _HEAD)]

    for b in range(2):
        pltpu.async_copy(src(b), bufs[b], sin[b])
    for g in range(_SC_CHUNKS):
        b = g % 2
        pltpu.make_async_copy(src(g), bufs[b], sin[b]).wait()
        swap_chunk(bufs[b])
        pltpu.async_copy(bufs[b], dst(g), sout[b])
        if g + 2 < _SC_CHUNKS:
            pltpu.make_async_copy(bufs[b], dst(g), sout[b]).wait()
            pltpu.async_copy(src(g + 2), bufs[b], sin[b])
    for g in (_SC_CHUNKS - 2, _SC_CHUNKS - 1):
        pltpu.make_async_copy(bufs[g % 2], dst(g), sout[g % 2]).wait()


@functools.cache
def _sc_head_swap():
    return pl.kernel(
        _sc_head_swap_body,
        out_type=jax.ShapeDtypeStruct((_B, _HEAD), jnp.float32),
        mesh=plsc.VectorSubcoreMesh(core_axis_name="c", subcore_axis_name="s"),
        scratch_types=(
            [pltpu.VMEM((_SC_C, _HEAD), jnp.float32)] * 2
            + [pltpu.SemaphoreType.DMA] * 4
        ),
    )


def _tc_copy_body(tok_ref, head_ref, out_ref):
    out_ref[...] = tok_ref[...]
    out_ref[:, 0:_HEAD] = head_ref[...]


@functools.cache
def _tc_copy():
    return pl.pallas_call(
        _tc_copy_body,
        grid=(_B // _GR,),
        in_specs=[
            pl.BlockSpec((_GR, _T), lambda i: (i, 0)),
            pl.BlockSpec((_GR, _HEAD), lambda i: (i, 0)),
        ],
        out_specs=pl.BlockSpec((_GR, _T), lambda i: (i, 0)),
        out_shape=jax.ShapeDtypeStruct((_B, _T), jnp.float32),
        compiler_params=pltpu.CompilerParams(
            dimension_semantics=("arbitrary",),
        ),
    )


def kernel(tokens):
    head = _sc_head_swap()(tokens)
    return _tc_copy()(tokens, head)

# --- scband reference (transcript-rebuilt; emitter-appended) ---
"""Pipeline reference for scband-perturber-block-17248588661281 (READ-ONLY COPY).

The authoritative reference and input builder live on the scoring server;
editing this copy changes nothing except your own understanding.
"""

import jax, jax.numpy as jnp
import numpy as np


def setup_inputs(seed: int = 0) -> dict:
    key = jax.random.key(seed)
    tokens = jax.random.normal(key, (16384, 4096), dtype=jnp.float32)
    return {"tokens": tokens}


def reference(tokens):
    # Faithful translation of PerturberBlock.forward:
    # swap tokens[:, 0] and tokens[:, 1] via explicit gather + scatter-overwrite.
    B, T = tokens.shape
    rows = jnp.arange(B)
    idx1 = jnp.zeros((B,), dtype=jnp.int32)
    idx2 = jnp.ones((B,), dtype=jnp.int32)
    tmp = tokens[rows, idx1]                       # gather
    out = tokens.at[rows, idx1].set(tokens[rows, idx2])  # scatter-overwrite
    out = out.at[rows, idx2].set(tmp)              # scatter-overwrite
    return out

if __name__ == "__main__":
    import jax
    _d = setup_inputs()
    print(jax.jit(kernel)(*tuple(_d.values())))

</pallas_src>

<mosaic_0001>
#map = affine_map<(d0, d1) -> (0, 0)>
module attributes {stable_mosaic.version = 14 : i64} {
  func.func @_sc_head_swap_body(%arg0: i32, %arg1: i32, %arg2: memref<16384x4096xf32, #tpu.memory_space<hbm>>, %arg3: memref<16384x128xf32, #tpu.memory_space<hbm>>, %arg4: memref<128x128xf32, #tpu.memory_space<vmem>>, %arg5: memref<128x128xf32, #tpu.memory_space<vmem>>, %arg6: memref<!tpu.dma_semaphore, #tpu.memory_space<semaphore_mem>>, %arg7: memref<!tpu.dma_semaphore, #tpu.memory_space<semaphore_mem>>, %arg8: memref<!tpu.dma_semaphore, #tpu.memory_space<semaphore_mem>>, %arg9: memref<!tpu.dma_semaphore, #tpu.memory_space<semaphore_mem>>) attributes {dimension_semantics = [#tpu.dimension_semantics<core_parallel>, #tpu.dimension_semantics<subcore_parallel>], iteration_bounds = array<i64: 2, 16>, scalar_prefetch = 0 : i64, scratch_operands = 6 : i64, tpu.core_type = #tpu.core_type<sc_vector_subcore>, window_params = [{transform_indices = #map}, {transform_indices = #map}]} {
    %mul3A = arith.constant 2 : i32
    %mul3A_0 = arith.muli %arg1, %mul3A : i32
    %add3A = arith.addi %mul3A_0, %arg0 : i32
    %mul3A_1 = arith.constant 512 : i32
    %mul3A_2 = arith.muli %add3A, %mul3A_1 : i32
    %iota3A = tpu.iota {dimensions = array<i32: 0>} : vector<16xi32>
    %eq3A = arith.constant 0 : i32
    %eq3A_3 = vector.broadcast %eq3A : i32 to vector<16xi32>
    %eq3A_4 = arith.cmpi eq, %iota3A, %eq3A_3 : vector<16xi32>
    %eq3A_5 = arith.constant 1 : i32
    %eq3A_6 = vector.broadcast %eq3A_5 : i32 to vector<16xi32>
    %eq3A_7 = arith.cmpi eq, %iota3A, %eq3A_6 : vector<16xi32>
    %jit3A = arith.constant 0 : i32
    %broadcast_in_dim3A = vector.broadcast %jit3A : i32 to vector<16xi32>
    %select_n3A = arith.select %eq3A_7, %broadcast_in_dim3A, %iota3A : vector<16xi1>, vector<16xi32>
    %jit3A_8 = arith.constant 1 : i32
    %broadcast_in_dim3A_9 = vector.broadcast %jit3A_8 : i32 to vector<16xi32>
    %select_n3A_10 = arith.select %eq3A_4, %broadcast_in_dim3A_9, %select_n3A : vector<16xi1>, vector<16xi32>
    %add3A_11 = arith.constant 0 : i32
    %add3A_12 = arith.addi %mul3A_2, %add3A_11 : i32
    %dma_start3A = arith.constant 0 : i32
    %dma_start3A_13 = tpu.memref_slice %arg2[%add3A_12, %dma_start3A] : memref<16384x4096xf32, #tpu.memory_space<hbm>> -> memref<128x128xf32, #tpu.memory_space<hbm>>
    %dma_start3A_14 = arith.constant 0 : i32
    %dma_start3A_15 = tpu.memref_slice %arg2[%add3A_12, %dma_start3A_14] : memref<16384x4096xf32, #tpu.memory_space<hbm>> -> memref<128x128xf32, #tpu.memory_space<hbm>>
    tpu.enqueue_dma source(%dma_start3A_15 : memref<128x128xf32, #tpu.memory_space<hbm>>) target(%arg4 : memref<128x128xf32, #tpu.memory_space<vmem>>) target_semaphore(%arg6 : memref<!tpu.dma_semaphore, #tpu.memory_space<semaphore_mem>>)
    %add3A_16 = arith.constant 128 : i32
    %add3A_17 = arith.addi %mul3A_2, %add3A_16 : i32
    %dma_start3A_18 = arith.constant 0 : i32
    %dma_start3A_19 = tpu.memref_slice %arg2[%add3A_17, %dma_start3A_18] : memref<16384x4096xf32, #tpu.memory_space<hbm>> -> memref<128x128xf32, #tpu.memory_space<hbm>>
    %dma_start3A_20 = arith.constant 0 : i32
    %dma_start3A_21 = tpu.memref_slice %arg2[%add3A_17, %dma_start3A_20] : memref<16384x4096xf32, #tpu.memory_space<hbm>> -> memref<128x128xf32, #tpu.memory_space<hbm>>
    tpu.enqueue_dma source(%dma_start3A_21 : memref<128x128xf32, #tpu.memory_space<hbm>>) target(%arg5 : memref<128x128xf32, #tpu.memory_space<vmem>>) target_semaphore(%arg7 : memref<!tpu.dma_semaphore, #tpu.memory_space<semaphore_mem>>)
    %add3A_22 = arith.constant 0 : i32
    %add3A_23 = arith.addi %mul3A_2, %add3A_22 : i32
    %dma_wait3A = arith.constant 0 : i32
    %dma_wait3A_24 = tpu.memref_slice %arg2[%add3A_23, %dma_wait3A] : memref<16384x4096xf32, #tpu.memory_space<hbm>> -> memref<128x128xf32, #tpu.memory_space<hbm>>
    %dma_wait3A_25 = arith.constant 0 : i32
    %dma_wait3A_26 = tpu.memref_slice %arg2[%add3A_23, %dma_wait3A_25] : memref<16384x4096xf32, #tpu.memory_space<hbm>> -> memref<128x128xf32, #tpu.memory_space<hbm>>
    tpu.wait_dma2 semaphore(%arg6 : memref<!tpu.dma_semaphore, #tpu.memory_space<semaphore_mem>>) src(%dma_wait3A_26 : memref<128x128xf32, #tpu.memory_space<hbm>>) dst(%arg4 : memref<128x128xf32, #tpu.memory_space<vmem>>)
    %scan3A = arith.constant 0 : i32
    %scan3A_27 = arith.constant 0 : i32
    %scan3A_28 = arith.constant 16 : i32
    %scan3A_29 = arith.addi %scan3A_27, %scan3A_28 : i32
    %scan3A_30 = arith.constant 1 : i32
    scf.for %scan3A_128 = %scan3A_27 to %scan3A_29 step %scan3A_30  : i32 {
      %mul3A_129 = arith.constant 8 : i32
      %mul3A_130 = arith.muli %scan3A_128, %mul3A_129 : i32
      %add3A_131 = arith.constant 0 : i32
      %add3A_132 = arith.addi %mul3A_130, %add3A_131 : i32
      %get3A = arith.index_cast %add3A_132 : i32 to index
      %get3A_133 = arith.constant 0 : index
      %get3A_134 = tpu.vector_load %arg4[%get3A, %get3A_133] {strides = array<i32>} : memref<128x128xf32, #tpu.memory_space<vmem>>, vector<1x16xf32>,
      %get3A_135 = vector.shape_cast %get3A_134 : vector<1x16xf32> to vector<16xf32>
      %broadcast_in_dim3A_136 = vector.shape_cast %select_n3A_10 : vector<16xi32> to vector<16x1xi32>
      %gather3A = vector.shape_cast %broadcast_in_dim3A_136 : vector<16x1xi32> to vector<16xi32>
      %gather3A_137 = tpu.dynamic_gather %get3A_135[%gather3A] in [0] : vector<16xf32>, vector<16xi32> -> vector<16xf32>
      %swap3A = arith.index_cast %add3A_132 : i32 to index
      %swap3A_138 = arith.constant 0 : index
      %swap3A_139 = tpu.vector_load %arg4[%swap3A, %swap3A_138] {strides = array<i32>} : memref<128x128xf32, #tpu.memory_space<vmem>>, vector<1x16xf32>,
      %swap3A_140 = vector.shape_cast %swap3A_139 : vector<1x16xf32> to vector<16xf32>
      %swap3A_141 = vector.shape_cast %gather3A_137 : vector<16xf32> to vector<1x16xf32>
      tpu.vector_store %arg4[%swap3A, %swap3A_138], %swap3A_141 {strides = array<i32>} : memref<128x128xf32, #tpu.memory_space<vmem>>, vector<1x16xf32>,
      %mul3A_142 = arith.constant 8 : i32
      %mul3A_143 = arith.muli %scan3A_128, %mul3A_142 : i32
      %add3A_144 = arith.constant 1 : i32
      %add3A_145 = arith.addi %mul3A_143, %add3A_144 : i32
      %get3A_146 = arith.index_cast %add3A_145 : i32 to index
      %get3A_147 = arith.constant 0 : index
      %get3A_148 = tpu.vector_load %arg4[%get3A_146, %get3A_147] {strides = array<i32>} : memref<128x128xf32, #tpu.memory_space<vmem>>, vector<1x16xf32>,
      %get3A_149 = vector.shape_cast %get3A_148 : vector<1x16xf32> to vector<16xf32>
      %broadcast_in_dim3A_150 = vector.shape_cast %select_n3A_10 : vector<16xi32> to vector<16x1xi32>
      %gather3A_151 = vector.shape_cast %broadcast_in_dim3A_150 : vector<16x1xi32> to vector<16xi32>
      %gather3A_152 = tpu.dynamic_gather %get3A_149[%gather3A_151] in [0] : vector<16xf32>, vector<16xi32> -> vector<16xf32>
      %swap3A_153 = arith.index_cast %add3A_145 : i32 to index
      %swap3A_154 = arith.constant 0 : index
      %swap3A_155 = tpu.vector_load %arg4[%swap3A_153, %swap3A_154] {strides = array<i32>} : memref<128x128xf32, #tpu.memory_space<vmem>>, vector<1x16xf32>,
      %swap3A_156 = vector.shape_cast %swap3A_155 : vector<1x16xf32> to vector<16xf32>
      %swap3A_157 = vector.shape_cast %gather3A_152 : vector<16xf32> to vector<1x16xf32>
      tpu.vector_store %arg4[%swap3A_153, %swap3A_154], %swap3A_157 {strides = array<i32>} : memref<128x128xf32, #tpu.memory_space<vmem>>, vector<1x16xf32>,
      %mul3A_158 = arith.constant 8 : i32
      %mul3A_159 = arith.muli %scan3A_128, %mul3A_158 : i32
      %add3A_160 = arith.constant 2 : i32
      %add3A_161 = arith.addi %mul3A_159, %add3A_160 : i32
      %get3A_162 = arith.index_cast %add3A_161 : i32 to index
      %get3A_163 = arith.constant 0 : index
      %get3A_164 = tpu.vector_load %arg4[%get3A_162, %get3A_163] {strides = array<i32>} : memref<128x128xf32, #tpu.memory_space<vmem>>, vector<1x16xf32>,
      %get3A_165 = vector.shape_cast %get3A_164 : vector<1x16xf32> to vector<16xf32>
      %broadcast_in_dim3A_166 = vector.shape_cast %select_n3A_10 : vector<16xi32> to vector<16x1xi32>
      %gather3A_167 = vector.shape_cast %broadcast_in_dim3A_166 : vector<16x1xi32> to vector<16xi32>
      %gather3A_168 = tpu.dynamic_gather %get3A_165[%gather3A_167] in [0] : vector<16xf32>, vector<16xi32> -> vector<16xf32>
      %swap3A_169 = arith.index_cast %add3A_161 : i32 to index
      %swap3A_170 = arith.constant 0 : index
      %swap3A_171 = tpu.vector_load %arg4[%swap3A_169, %swap3A_170] {strides = array<i32>} : memref<128x128xf32, #tpu.memory_space<vmem>>, vector<1x16xf32>,
      %swap3A_172 = vector.shape_cast %swap3A_171 : vector<1x16xf32> to vector<16xf32>
      %swap3A_173 = vector.shape_cast %gather3A_168 : vector<16xf32> to vector<1x16xf32>
      tpu.vector_store %arg4[%swap3A_169, %swap3A_170], %swap3A_173 {strides = array<i32>} : memref<128x128xf32, #tpu.memory_space<vmem>>, vector<1x16xf32>,
      %mul3A_174 = arith.constant 8 : i32
      %mul3A_175 = arith.muli %scan3A_128, %mul3A_174 : i32
      %add3A_176 = arith.constant 3 : i32
      %add3A_177 = arith.addi %mul3A_175, %add3A_176 : i32
      %get3A_178 = arith.index_cast %add3A_177 : i32 to index
      %get3A_179 = arith.constant 0 : index
      %get3A_180 = tpu.vector_load %arg4[%get3A_178, %get3A_179] {strides = array<i32>} : memref<128x128xf32, #tpu.memory_space<vmem>>, vector<1x16xf32>,
      %get3A_181 = vector.shape_cast %get3A_180 : vector<1x16xf32> to vector<16xf32>
      %broadcast_in_dim3A_182 = vector.shape_cast %select_n3A_10 : vector<16xi32> to vector<16x1xi32>
      %gather3A_183 = vector.shape_cast %broadcast_in_dim3A_182 : vector<16x1xi32> to vector<16xi32>
      %gather3A_184 = tpu.dynamic_gather %get3A_181[%gather3A_183] in [0] : vector<16xf32>, vector<16xi32> -> vector<16xf32>
      %swap3A_185 = arith.index_cast %add3A_177 : i32 to index
      %swap3A_186 = arith.constant 0 : index
      %swap3A_187 = tpu.vector_load %arg4[%swap3A_185, %swap3A_186] {strides = array<i32>} : memref<128x128xf32, #tpu.memory_space<vmem>>, vector<1x16xf32>,
      %swap3A_188 = vector.shape_cast %swap3A_187 : vector<1x16xf32> to vector<16xf32>
      %swap3A_189 = vector.shape_cast %gather3A_184 : vector<16xf32> to vector<1x16xf32>
      tpu.vector_store %arg4[%swap3A_185, %swap3A_186], %swap3A_189 {strides = array<i32>} : memref<128x128xf32, #tpu.memory_space<vmem>>, vector<1x16xf32>,
      %mul3A_190 = arith.constant 8 : i32
      %mul3A_191 = arith.muli %scan3A_128, %mul3A_190 : i32
      %add3A_192 = arith.constant 4 : i32
      %add3A_193 = arith.addi %mul3A_191, %add3A_192 : i32
      %get3A_194 = arith.index_cast %add3A_193 : i32 to index
      %get3A_195 = arith.constant 0 : index
      %get3A_196 = tpu.vector_load %arg4[%get3A_194, %get3A_195] {strides = array<i32>} : memref<128x128xf32, #tpu.memory_space<vmem>>, vector<1x16xf32>,
      %get3A_197 = vector.shape_cast %get3A_196 : vector<1x16xf32> to vector<16xf32>
      %broadcast_in_dim3A_198 = vector.shape_cast %select_n3A_10 : vector<16xi32> to vector<16x1xi32>
      %gather3A_199 = vector.shape_cast %broadcast_in_dim3A_198 : vector<16x1xi32> to vector<16xi32>
      %gather3A_200 = tpu.dynamic_gather %get3A_197[%gather3A_199] in [0] : vector<16xf32>, vector<16xi32> -> vector<16xf32>
      %swap3A_201 = arith.index_cast %add3A_193 : i32 to index
      %swap3A_202 = arith.constant 0 : index
      %swap3A_203 = tpu.vector_load %arg4[%swap3A_201, %swap3A_202] {strides = array<i32>} : memref<128x128xf32, #tpu.memory_space<vmem>>, vector<1x16xf32>,
      %swap3A_204 = vector.shape_cast %swap3A_203 : vector<1x16xf32> to vector<16xf32>
      %swap3A_205 = vector.shape_cast %gather3A_200 : vector<16xf32> to vector<1x16xf32>
      tpu.vector_store %arg4[%swap3A_201, %swap3A_202], %swap3A_205 {strides = array<i32>} : memref<128x128xf32, #tpu.memory_space<vmem>>, vector<1x16xf32>,
      %mul3A_206 = arith.constant 8 : i32
      %mul3A_207 = arith.muli %scan3A_128, %mul3A_206 : i32
      %add3A_208 = arith.constant 5 : i32
      %add3A_209 = arith.addi %mul3A_207, %add3A_208 : i32
      %get3A_210 = arith.index_cast %add3A_209 : i32 to index
      %get3A_211 = arith.constant 0 : index
      %get3A_212 = tpu.vector_load %arg4[%get3A_210, %get3A_211] {strides = array<i32>} : memref<128x128xf32, #tpu.memory_space<vmem>>, vector<1x16xf32>,
      %get3A_213 = vector.shape_cast %get3A_212 : vector<1x16xf32> to vector<16xf32>
      %broadcast_in_dim3A_214 = vector.shape_cast %select_n3A_10 : vector<16xi32> to vector<16x1xi32>
      %gather3A_215 = vector.shape_cast %broadcast_in_dim3A_214 : vector<16x1xi32> to vector<16xi32>
      %gather3A_216 = tpu.dynamic_gather %get3A_213[%gather3A_215] in [0] : vector<16xf32>, vector<16xi32> -> vector<16xf32>
      %swap3A_217 = arith.index_cast %add3A_209 : i32 to index
      %swap3A_218 = arith.constant 0 : index
      %swap3A_219 = tpu.vector_load %arg4[%swap3A_217, %swap3A_218] {strides = array<i32>} : memref<128x128xf32, #tpu.memory_space<vmem>>, vector<1x16xf32>,
      %swap3A_220 = vector.shape_cast %swap3A_219 : vector<1x16xf32> to vector<16xf32>
      %swap3A_221 = vector.shape_cast %gather3A_216 : vector<16xf32> to vector<1x16xf32>
      tpu.vector_store %arg4[%swap3A_217, %swap3A_218], %swap3A_221 {strides = array<i32>} : memref<128x128xf32, #tpu.memory_space<vmem>>, vector<1x16xf32>,
      %mul3A_222 = arith.constant 8 : i32
      %mul3A_223 = arith.muli %scan3A_128, %mul3A_222 : i32
      %add3A_224 = arith.constant 6 : i32
      %add3A_225 = arith.addi %mul3A_223, %add3A_224 : i32
      %get3A_226 = arith.index_cast %add3A_225 : i32 to index
      %get3A_227 = arith.constant 0 : index
      %get3A_228 = tpu.vector_load %arg4[%get3A_226, %get3A_227] {strides = array<i32>} : memref<128x128xf32, #tpu.memory_space<vmem>>, vector<1x16xf32>,
      %get3A_229 = vector.shape_cast %get3A_228 : vector<1x16xf32> to vector<16xf32>
      %broadcast_in_dim3A_230 = vector.shape_cast %select_n3A_10 : vector<16xi32> to vector<16x1xi32>
      %gather3A_231 = vector.shape_cast %broadcast_in_dim3A_230 : vector<16x1xi32> to vector<16xi32>
      %gather3A_232 = tpu.dynamic_gather %get3A_229[%gather3A_231] in [0] : vector<16xf32>, vector<16xi32> -> vector<16xf32>
      %swap3A_233 = arith.index_cast %add3A_225 : i32 to index
      %swap3A_234 = arith.constant 0 : index
      %swap3A_235 = tpu.vector_load %arg4[%swap3A_233, %swap3A_234] {strides = array<i32>} : memref<128x128xf32, #tpu.memory_space<vmem>>, vector<1x16xf32>,
      %swap3A_236 = vector.shape_cast %swap3A_235 : vector<1x16xf32> to vector<16xf32>
      %swap3A_237 = vector.shape_cast %gather3A_232 : vector<16xf32> to vector<1x16xf32>
      tpu.vector_store %arg4[%swap3A_233, %swap3A_234], %swap3A_237 {strides = array<i32>} : memref<128x128xf32, #tpu.memory_space<vmem>>, vector<1x16xf32>,
      %mul3A_238 = arith.constant 8 : i32
      %mul3A_239 = arith.muli %scan3A_128, %mul3A_238 : i32
      %add3A_240 = arith.constant 7 : i32
      %add3A_241 = arith.addi %mul3A_239, %add3A_240 : i32
      %get3A_242 = arith.index_cast %add3A_241 : i32 to index
      %get3A_243 = arith.constant 0 : index
      %get3A_244 = tpu.vector_load %arg4[%get3A_242, %get3A_243] {strides = array<i32>} : memref<128x128xf32, #tpu.memory_space<vmem>>, vector<1x16xf32>,
      %get3A_245 = vector.shape_cast %get3A_244 : vector<1x16xf32> to vector<16xf32>
      %broadcast_in_dim3A_246 = vector.shape_cast %select_n3A_10 : vector<16xi32> to vector<16x1xi32>
      %gather3A_247 = vector.shape_cast %broadcast_in_dim3A_246 : vector<16x1xi32> to vector<16xi32>
      %gather3A_248 = tpu.dynamic_gather %get3A_245[%gather3A_247] in [0] : vector<16xf32>, vector<16xi32> -> vector<16xf32>
      %swap3A_249 = arith.index_cast %add3A_241 : i32 to index
      %swap3A_250 = arith.constant 0 : index
      %swap3A_251 = tpu.vector_load %arg4[%swap3A_249, %swap3A_250] {strides = array<i32>} : memref<128x128xf32, #tpu.memory_space<vmem>>, vector<1x16xf32>,
      %swap3A_252 = vector.shape_cast %swap3A_251 : vector<1x16xf32> to vector<16xf32>
      %swap3A_253 = vector.shape_cast %gather3A_248 : vector<16xf32> to vector<1x16xf32>
      tpu.vector_store %arg4[%swap3A_249, %swap3A_250], %swap3A_253 {strides = array<i32>} : memref<128x128xf32, #tpu.memory_space<vmem>>, vector<1x16xf32>,
    }
    %scan3A_31 = arith.constant 16 : i32
    %add3A_32 = arith.constant 0 : i32
    %add3A_33 = arith.addi %mul3A_2, %add3A_32 : i32
    %dma_start3A_34 = arith.constant 0 : i32
    %dma_start3A_35 = tpu.memref_slice %arg3[%add3A_33, %dma_start3A_34] : memref<16384x128xf32, #tpu.memory_space<hbm>> -> memref<128x128xf32, #tpu.memory_space<hbm>>
    %dma_start3A_36 = arith.constant 0 : i32
    %dma_start3A_37 = tpu.memref_slice %arg3[%add3A_33, %dma_start3A_36] : memref<16384x128xf32, #tpu.memory_space<hbm>> -> memref<128x128xf32, #tpu.memory_space<hbm>>
    tpu.enqueue_dma source(%arg4 : memref<128x128xf32, #tpu.memory_space<vmem>>) target(%dma_start3A_37 : memref<128x128xf32, #tpu.memory_space<hbm>>) target_semaphore(%arg8 : memref<!tpu.dma_semaphore, #tpu.memory_space<semaphore_mem>>)
    %add3A_38 = arith.constant 0 : i32
    %add3A_39 = arith.addi %mul3A_2, %add3A_38 : i32
    %dma_wait3A_40 = arith.constant 0 : i32
    %dma_wait3A_41 = tpu.memref_slice %arg3[%add3A_39, %dma_wait3A_40] : memref<16384x128xf32, #tpu.memory_space<hbm>> -> memref<128x128xf32, #tpu.memory_space<hbm>>
    %dma_wait3A_42 = arith.constant 0 : i32
    %dma_wait3A_43 = tpu.memref_slice %arg3[%add3A_39, %dma_wait3A_42] : memref<16384x128xf32, #tpu.memory_space<hbm>> -> memref<128x128xf32, #tpu.memory_space<hbm>>
    tpu.wait_dma2 semaphore(%arg8 : memref<!tpu.dma_semaphore, #tpu.memory_space<semaphore_mem>>) src(%arg4 : memref<128x128xf32, #tpu.memory_space<vmem>>) dst(%dma_wait3A_43 : memref<128x128xf32, #tpu.memory_space<hbm>>)
    %add3A_44 = arith.constant 256 : i32
    %add3A_45 = arith.addi %mul3A_2, %add3A_44 : i32
    %dma_start3A_46 = arith.constant 0 : i32
    %dma_start3A_47 = tpu.memref_slice %arg2[%add3A_45, %dma_start3A_46] : memref<16384x4096xf32, #tpu.memory_space<hbm>> -> memref<128x128xf32, #tpu.memory_space<hbm>>
    %dma_start3A_48 = arith.constant 0 : i32
    %dma_start3A_49 = tpu.memref_slice %arg2[%add3A_45, %dma_start3A_48] : memref<16384x4096xf32, #tpu.memory_space<hbm>> -> memref<128x128xf32, #tpu.memory_space<hbm>>
    tpu.enqueue_dma source(%dma_start3A_49 : memref<128x128xf32, #tpu.memory_space<hbm>>) target(%arg4 : memref<128x128xf32, #tpu.memory_space<vmem>>) target_semaphore(%arg6 : memref<!tpu.dma_semaphore, #tpu.memory_space<semaphore_mem>>)
    %add3A_50 = arith.constant 128 : i32
    %add3A_51 = arith.addi %mul3A_2, %add3A_50 : i32
    %dma_wait3A_52 = arith.constant 0 : i32
    %dma_wait3A_53 = tpu.memref_slice %arg2[%add3A_51, %dma_wait3A_52] : memref<16384x4096xf32, #tpu.memory_space<hbm>> -> memref<128x128xf32, #tpu.memory_space<hbm>>
    %dma_wait3A_54 = arith.constant 0 : i32
    %dma_wait3A_55 = tpu.memref_slice %arg2[%add3A_51, %dma_wait3A_54] : memref<16384x4096xf32, #tpu.memory_space<hbm>> -> memref<128x128xf32, #tpu.memory_space<hbm>>
    tpu.wait_dma2 semaphore(%arg7 : memref<!tpu.dma_semaphore, #tpu.memory_space<semaphore_mem>>) src(%dma_wait3A_55 : memref<128x128xf32, #tpu.memory_space<hbm>>) dst(%arg5 : memref<128x128xf32, #tpu.memory_space<vmem>>)
    %scan3A_56 = arith.constant 0 : i32
    %scan3A_57 = arith.constant 0 : i32
    %scan3A_58 = arith.constant 16 : i32
    %scan3A_59 = arith.addi %scan3A_57, %scan3A_58 : i32
    %scan3A_60 = arith.constant 1 : i32
    scf.for %scan3A_128 = %scan3A_57 to %scan3A_59 step %scan3A_60  : i32 {
      %mul3A_129 = arith.constant 8 : i32
      %mul3A_130 = arith.muli %scan3A_128, %mul3A_129 : i32
      %add3A_131 = arith.constant 0 : i32
      %add3A_132 = arith.addi %mul3A_130, %add3A_131 : i32
      %get3A = arith.index_cast %add3A_132 : i32 to index
      %get3A_133 = arith.constant 0 : index
      %get3A_134 = tpu.vector_load %arg5[%get3A, %get3A_133] {strides = array<i32>} : memref<128x128xf32, #tpu.memory_space<vmem>>, vector<1x16xf32>,
      %get3A_135 = vector.shape_cast %get3A_134 : vector<1x16xf32> to vector<16xf32>
      %broadcast_in_dim3A_136 = vector.shape_cast %select_n3A_10 : vector<16xi32> to vector<16x1xi32>
      %gather3A = vector.shape_cast %broadcast_in_dim3A_136 : vector<16x1xi32> to vector<16xi32>
      %gather3A_137 = tpu.dynamic_gather %get3A_135[%gather3A] in [0] : vector<16xf32>, vector<16xi32> -> vector<16xf32>
      %swap3A = arith.index_cast %add3A_132 : i32 to index
      %swap3A_138 = arith.constant 0 : index
      %swap3A_139 = tpu.vector_load %arg5[%swap3A, %swap3A_138] {strides = array<i32>} : memref<128x128xf32, #tpu.memory_space<vmem>>, vector<1x16xf32>,
      %swap3A_140 = vector.shape_cast %swap3A_139 : vector<1x16xf32> to vector<16xf32>
      %swap3A_141 = vector.shape_cast %gather3A_137 : vector<16xf32> to vector<1x16xf32>
      tpu.vector_store %arg5[%swap3A, %swap3A_138], %swap3A_141 {strides = array<i32>} : memref<128x128xf32, #tpu.memory_space<vmem>>, vector<1x16xf32>,
      %mul3A_142 = arith.constant 8 : i32
      %mul3A_143 = arith.muli %scan3A_128, %mul3A_142 : i32
      %add3A_144 = arith.constant 1 : i32
      %add3A_145 = arith.addi %mul3A_143, %add3A_144 : i32
      %get3A_146 = arith.index_cast %add3A_145 : i32 to index
      %get3A_147 = arith.constant 0 : index
      %get3A_148 = tpu.vector_load %arg5[%get3A_146, %get3A_147] {strides = array<i32>} : memref<128x128xf32, #tpu.memory_space<vmem>>, vector<1x16xf32>,
      %get3A_149 = vector.shape_cast %get3A_148 : vector<1x16xf32> to vector<16xf32>
      %broadcast_in_dim3A_150 = vector.shape_cast %select_n3A_10 : vector<16xi32> to vector<16x1xi32>
      %gather3A_151 = vector.shape_cast %broadcast_in_dim3A_150 : vector<16x1xi32> to vector<16xi32>
      %gather3A_152 = tpu.dynamic_gather %get3A_149[%gather3A_151] in [0] : vector<16xf32>, vector<16xi32> -> vector<16xf32>
      %swap3A_153 = arith.index_cast %add3A_145 : i32 to index
      %swap3A_154 = arith.constant 0 : index
      %swap3A_155 = tpu.vector_load %arg5[%swap3A_153, %swap3A_154] {strides = array<i32>} : memref<128x128xf32, #tpu.memory_space<vmem>>, vector<1x16xf32>,
      %swap3A_156 = vector.shape_cast %swap3A_155 : vector<1x16xf32> to vector<16xf32>
      %swap3A_157 = vector.shape_cast %gather3A_152 : vector<16xf32> to vector<1x16xf32>
      tpu.vector_store %arg5[%swap3A_153, %swap3A_154], %swap3A_157 {strides = array<i32>} : memref<128x128xf32, #tpu.memory_space<vmem>>, vector<1x16xf32>,
      %mul3A_158 = arith.constant 8 : i32
      %mul3A_159 = arith.muli %scan3A_128, %mul3A_158 : i32
      %add3A_160 = arith.constant 2 : i32
      %add3A_161 = arith.addi %mul3A_159, %add3A_160 : i32
      %get3A_162 = arith.index_cast %add3A_161 : i32 to index
      %get3A_163 = arith.constant 0 : index
      %get3A_164 = tpu.vector_load %arg5[%get3A_162, %get3A_163] {strides = array<i32>} : memref<128x128xf32, #tpu.memory_space<vmem>>, vector<1x16xf32>,
      %get3A_165 = vector.shape_cast %get3A_164 : vector<1x16xf32> to vector<16xf32>
      %broadcast_in_dim3A_166 = vector.shape_cast %select_n3A_10 : vector<16xi32> to vector<16x1xi32>
      %gather3A_167 = vector.shape_cast %broadcast_in_dim3A_166 : vector<16x1xi32> to vector<16xi32>
      %gather3A_168 = tpu.dynamic_gather %get3A_165[%gather3A_167] in [0] : vector<16xf32>, vector<16xi32> -> vector<16xf32>
      %swap3A_169 = arith.index_cast %add3A_161 : i32 to index
      %swap3A_170 = arith.constant 0 : index
      %swap3A_171 = tpu.vector_load %arg5[%swap3A_169, %swap3A_170] {strides = array<i32>} : memref<128x128xf32, #tpu.memory_space<vmem>>, vector<1x16xf32>,
      %swap3A_172 = vector.shape_cast %swap3A_171 : vector<1x16xf32> to vector<16xf32>
      %swap3A_173 = vector.shape_cast %gather3A_168 : vector<16xf32> to vector<1x16xf32>
      tpu.vector_store %arg5[%swap3A_169, %swap3A_170], %swap3A_173 {strides = array<i32>} : memref<128x128xf32, #tpu.memory_space<vmem>>, vector<1x16xf32>,
      %mul3A_174 = arith.constant 8 : i32
      %mul3A_175 = arith.muli %scan3A_128, %mul3A_174 : i32
      %add3A_176 = arith.constant 3 : i32
      %add3A_177 = arith.addi %mul3A_175, %add3A_176 : i32
      %get3A_178 = arith.index_cast %add3A_177 : i32 to index
      %get3A_179 = arith.constant 0 : index
      %get3A_180 = tpu.vector_load %arg5[%get3A_178, %get3A_179] {strides = array<i32>} : memref<128x128xf32, #tpu.memory_space<vmem>>, vector<1x16xf32>,
      %get3A_181 = vector.shape_cast %get3A_180 : vector<1x16xf32> to vector<16xf32>
      %broadcast_in_dim3A_182 = vector.shape_cast %select_n3A_10 : vector<16xi32> to vector<16x1xi32>
      %gather3A_183 = vector.shape_cast %broadcast_in_dim3A_182 : vector<16x1xi32> to vector<16xi32>
      %gather3A_184 = tpu.dynamic_gather %get3A_181[%gather3A_183] in [0] : vector<16xf32>, vector<16xi32> -> vector<16xf32>
      %swap3A_185 = arith.index_cast %add3A_177 : i32 to index
      %swap3A_186 = arith.constant 0 : index
      %swap3A_187 = tpu.vector_load %arg5[%swap3A_185, %swap3A_186] {strides = array<i32>} : memref<128x128xf32, #tpu.memory_space<vmem>>, vector<1x16xf32>,
      %swap3A_188 = vector.shape_cast %swap3A_187 : vector<1x16xf32> to vector<16xf32>
      %swap3A_189 = vector.shape_cast %gather3A_184 : vector<16xf32> to vector<1x16xf32>
      tpu.vector_store %arg5[%swap3A_185, %swap3A_186], %swap3A_189 {strides = array<i32>} : memref<128x128xf32, #tpu.memory_space<vmem>>, vector<1x16xf32>,
      %mul3A_190 = arith.constant 8 : i32
      %mul3A_191 = arith.muli %scan3A_128, %mul3A_190 : i32
      %add3A_192 = arith.constant 4 : i32
      %add3A_193 = arith.addi %mul3A_191, %add3A_192 : i32
      %get3A_194 = arith.index_cast %add3A_193 : i32 to index
      %get3A_195 = arith.constant 0 : index
      %get3A_196 = tpu.vector_load %arg5[%get3A_194, %get3A_195] {strides = array<i32>} : memref<128x128xf32, #tpu.memory_space<vmem>>, vector<1x16xf32>,
      %get3A_197 = vector.shape_cast %get3A_196 : vector<1x16xf32> to vector<16xf32>
      %broadcast_in_dim3A_198 = vector.shape_cast %select_n3A_10 : vector<16xi32> to vector<16x1xi32>
      %gather3A_199 = vector.shape_cast %broadcast_in_dim3A_198 : vector<16x1xi32> to vector<16xi32>
      %gather3A_200 = tpu.dynamic_gather %get3A_197[%gather3A_199] in [0] : vector<16xf32>, vector<16xi32> -> vector<16xf32>
      %swap3A_201 = arith.index_cast %add3A_193 : i32 to index
      %swap3A_202 = arith.constant 0 : index
      %swap3A_203 = tpu.vector_load %arg5[%swap3A_201, %swap3A_202] {strides = array<i32>} : memref<128x128xf32, #tpu.memory_space<vmem>>, vector<1x16xf32>,
      %swap3A_204 = vector.shape_cast %swap3A_203 : vector<1x16xf32> to vector<16xf32>
      %swap3A_205 = vector.shape_cast %gather3A_200 : vector<16xf32> to vector<1x16xf32>
      tpu.vector_store %arg5[%swap3A_201, %swap3A_202], %swap3A_205 {strides = array<i32>} : memref<128x128xf32, #tpu.memory_space<vmem>>, vector<1x16xf32>,
      %mul3A_206 = arith.constant 8 : i32
      %mul3A_207 = arith.muli %scan3A_128, %mul3A_206 : i32
      %add3A_208 = arith.constant 5 : i32
      %add3A_209 = arith.addi %mul3A_207, %add3A_208 : i32
      %get3A_210 = arith.index_cast %add3A_209 : i32 to index
      %get3A_211 = arith.constant 0 : index
      %get3A_212 = tpu.vector_load %arg5[%get3A_210, %get3A_211] {strides = array<i32>} : memref<128x128xf32, #tpu.memory_space<vmem>>, vector<1x16xf32>,
      %get3A_213 = vector.shape_cast %get3A_212 : vector<1x16xf32> to vector<16xf32>
      %broadcast_in_dim3A_214 = vector.shape_cast %select_n3A_10 : vector<16xi32> to vector<16x1xi32>
      %gather3A_215 = vector.shape_cast %broadcast_in_dim3A_214 : vector<16x1xi32> to vector<16xi32>
      %gather3A_216 = tpu.dynamic_gather %get3A_213[%gather3A_215] in [0] : vector<16xf32>, vector<16xi32> -> vector<16xf32>
      %swap3A_217 = arith.index_cast %add3A_209 : i32 to index
      %swap3A_218 = arith.constant 0 : index
      %swap3A_219 = tpu.vector_load %arg5[%swap3A_217, %swap3A_218] {strides = array<i32>} : memref<128x128xf32, #tpu.memory_space<vmem>>, vector<1x16xf32>,
      %swap3A_220 = vector.shape_cast %swap3A_219 : vector<1x16xf32> to vector<16xf32>
      %swap3A_221 = vector.shape_cast %gather3A_216 : vector<16xf32> to vector<1x16xf32>
      tpu.vector_store %arg5[%swap3A_217, %swap3A_218], %swap3A_221 {strides = array<i32>} : memref<128x128xf32, #tpu.memory_space<vmem>>, vector<1x16xf32>,
      %mul3A_222 = arith.constant 8 : i32
      %mul3A_223 = arith.muli %scan3A_128, %mul3A_222 : i32
      %add3A_224 = arith.constant 6 : i32
      %add3A_225 = arith.addi %mul3A_223, %add3A_224 : i32
      %get3A_226 = arith.index_cast %add3A_225 : i32 to index
      %get3A_227 = arith.constant 0 : index
      %get3A_228 = tpu.vector_load %arg5[%get3A_226, %get3A_227] {strides = array<i32>} : memref<128x128xf32, #tpu.memory_space<vmem>>, vector<1x16xf32>,
      %get3A_229 = vector.shape_cast %get3A_228 : vector<1x16xf32> to vector<16xf32>
      %broadcast_in_dim3A_230 = vector.shape_cast %select_n3A_10 : vector<16xi32> to vector<16x1xi32>
      %gather3A_231 = vector.shape_cast %broadcast_in_dim3A_230 : vector<16x1xi32> to vector<16xi32>
      %gather3A_232 = tpu.dynamic_gather %get3A_229[%gather3A_231] in [0] : vector<16xf32>, vector<16xi32> -> vector<16xf32>
      %swap3A_233 = arith.index_cast %add3A_225 : i32 to index
      %swap3A_234 = arith.constant 0 : index
      %swap3A_235 = tpu.vector_load %arg5[%swap3A_233, %swap3A_234] {strides = array<i32>} : memref<128x128xf32, #tpu.memory_space<vmem>>, vector<1x16xf32>,
      %swap3A_236 = vector.shape_cast %swap3A_235 : vector<1x16xf32> to vector<16xf32>
      %swap3A_237 = vector.shape_cast %gather3A_232 : vector<16xf32> to vector<1x16xf32>
      tpu.vector_store %arg5[%swap3A_233, %swap3A_234], %swap3A_237 {strides = array<i32>} : memref<128x128xf32, #tpu.memory_space<vmem>>, vector<1x16xf32>,
      %mul3A_238 = arith.constant 8 : i32
      %mul3A_239 = arith.muli %scan3A_128, %mul3A_238 : i32
      %add3A_240 = arith.constant 7 : i32
      %add3A_241 = arith.addi %mul3A_239, %add3A_240 : i32
      %get3A_242 = arith.index_cast %add3A_241 : i32 to index
      %get3A_243 = arith.constant 0 : index
      %get3A_244 = tpu.vector_load %arg5[%get3A_242, %get3A_243] {strides = array<i32>} : memref<128x128xf32, #tpu.memory_space<vmem>>, vector<1x16xf32>,
      %get3A_245 = vector.shape_cast %get3A_244 : vector<1x16xf32> to vector<16xf32>
      %broadcast_in_dim3A_246 = vector.shape_cast %select_n3A_10 : vector<16xi32> to vector<16x1xi32>
      %gather3A_247 = vector.shape_cast %broadcast_in_dim3A_246 : vector<16x1xi32> to vector<16xi32>
      %gather3A_248 = tpu.dynamic_gather %get3A_245[%gather3A_247] in [0] : vector<16xf32>, vector<16xi32> -> vector<16xf32>
      %swap3A_249 = arith.index_cast %add3A_241 : i32 to index
      %swap3A_250 = arith.constant 0 : index
      %swap3A_251 = tpu.vector_load %arg5[%swap3A_249, %swap3A_250] {strides = array<i32>} : memref<128x128xf32, #tpu.memory_space<vmem>>, vector<1x16xf32>,
      %swap3A_252 = vector.shape_cast %swap3A_251 : vector<1x16xf32> to vector<16xf32>
      %swap3A_253 = vector.shape_cast %gather3A_248 : vector<16xf32> to vector<1x16xf32>
      tpu.vector_store %arg5[%swap3A_249, %swap3A_250], %swap3A_253 {strides = array<i32>} : memref<128x128xf32, #tpu.memory_space<vmem>>, vector<1x16xf32>,
    }
    %scan3A_61 = arith.constant 16 : i32
    %add3A_62 = arith.constant 128 : i32
    %add3A_63 = arith.addi %mul3A_2, %add3A_62 : i32
    %dma_start3A_64 = arith.constant 0 : i32
    %dma_start3A_65 = tpu.memref_slice %arg3[%add3A_63, %dma_start3A_64] : memref<16384x128xf32, #tpu.memory_space<hbm>> -> memref<128x128xf32, #tpu.memory_space<hbm>>
    %dma_start3A_66 = arith.constant 0 : i32
    %dma_start3A_67 = tpu.memref_slice %arg3[%add3A_63, %dma_start3A_66] : memref<16384x128xf32, #tpu.memory_space<hbm>> -> memref<128x128xf32, #tpu.memory_space<hbm>>
    tpu.enqueue_dma source(%arg5 : memref<128x128xf32, #tpu.memory_space<vmem>>) target(%dma_start3A_67 : memref<128x128xf32, #tpu.memory_space<hbm>>) target_semaphore(%arg9 : memref<!tpu.dma_semaphore, #tpu.memory_space<semaphore_mem>>)
    %add3A_68 = arith.constant 128 : i32
    %add3A_69 = arith.addi %mul3A_2, %add3A_68 : i32
    %dma_wait3A_70 = arith.constant 0 : i32
    %dma_wait3A_71 = tpu.memref_slice %arg3[%add3A_69, %dma_wait3A_70] : memref<16384x128xf32, #tpu.memory_space<hbm>> -> memref<128x128xf32, #tpu.memory_space<hbm>>
    %dma_wait3A_72 = arith.constant 0 : i32
    %dma_wait3A_73 = tpu.memref_slice %arg3[%add3A_69, %dma_wait3A_72] : memref<16384x128xf32, #tpu.memory_space<hbm>> -> memref<128x128xf32, #tpu.memory_space<hbm>>
    tpu.wait_dma2 semaphore(%arg9 : memref<!tpu.dma_semaphore, #tpu.memory_space<semaphore_mem>>) src(%arg5 : memref<128x128xf32, #tpu.memory_space<vmem>>) dst(%dma_wait3A_73 : memref<128x128xf32, #tpu.memory_space<hbm>>)
    %add3A_74 = arith.constant 384 : i32
    %add3A_75 = arith.addi %mul3A_2, %add3A_74 : i32
    %dma_start3A_76 = arith.constant 0 : i32
    %dma_start3A_77 = tpu.memref_slice %arg2[%add3A_75, %dma_start3A_76] : memref<16384x4096xf32, #tpu.memory_space<hbm>> -> memref<128x128xf32, #tpu.memory_space<hbm>>
    %dma_start3A_78 = arith.constant 0 : i32
    %dma_start3A_79 = tpu.memref_slice %arg2[%add3A_75, %dma_start3A_78] : memref<16384x4096xf32, #tpu.memory_space<hbm>> -> memref<128x128xf32, #tpu.memory_space<hbm>>
    tpu.enqueue_dma source(%dma_start3A_79 : memref<128x128xf32, #tpu.memory_space<hbm>>) target(%arg5 : memref<128x128xf32, #tpu.memory_space<vmem>>) target_semaphore(%arg7 : memref<!tpu.dma_semaphore, #tpu.memory_space<semaphore_mem>>)
    %add3A_80 = arith.constant 256 : i32
    %add3A_81 = arith.addi %mul3A_2, %add3A_80 : i32
    %dma_wait3A_82 = arith.constant 0 : i32
    %dma_wait3A_83 = tpu.memref_slice %arg2[%add3A_81, %dma_wait3A_82] : memref<16384x4096xf32, #tpu.memory_space<hbm>> -> memref<128x128xf32, #tpu.memory_space<hbm>>
    %dma_wait3A_84 = arith.constant 0 : i32
    %dma_wait3A_85 = tpu.memref_slice %arg2[%add3A_81, %dma_wait3A_84] : memref<16384x4096xf32, #tpu.memory_space<hbm>> -> memref<128x128xf32, #tpu.memory_space<hbm>>
    tpu.wait_dma2 semaphore(%arg6 : memref<!tpu.dma_semaphore, #tpu.memory_space<semaphore_mem>>) src(%dma_wait3A_85 : memref<128x128xf32, #tpu.memory_space<hbm>>) dst(%arg4 : memref<128x128xf32, #tpu.memory_space<vmem>>)
    %scan3A_86 = arith.constant 0 : i32
    %scan3A_87 = arith.constant 0 : i32
    %scan3A_88 = arith.constant 16 : i32
    %scan3A_89 = arith.addi %scan3A_87, %scan3A_88 : i32
    %scan3A_90 = arith.constant 1 : i32
    scf.for %scan3A_128 = %scan3A_87 to %scan3A_89 step %scan3A_90  : i32 {
      %mul3A_129 = arith.constant 8 : i32
      %mul3A_130 = arith.muli %scan3A_128, %mul3A_129 : i32
      %add3A_131 = arith.constant 0 : i32
      %add3A_132 = arith.addi %mul3A_130, %add3A_131 : i32
      %get3A = arith.index_cast %add3A_132 : i32 to index
      %get3A_133 = arith.constant 0 : index
      %get3A_134 = tpu.vector_load %arg4[%get3A, %get3A_133] {strides = array<i32>} : memref<128x128xf32, #tpu.memory_space<vmem>>, vector<1x16xf32>,
      %get3A_135 = vector.shape_cast %get3A_134 : vector<1x16xf32> to vector<16xf32>
      %broadcast_in_dim3A_136 = vector.shape_cast %select_n3A_10 : vector<16xi32> to vector<16x1xi32>
      %gather3A = vector.shape_cast %broadcast_in_dim3A_136 : vector<16x1xi32> to vector<16xi32>
      %gather3A_137 = tpu.dynamic_gather %get3A_135[%gather3A] in [0] : vector<16xf32>, vector<16xi32> -> vector<16xf32>
      %swap3A = arith.index_cast %add3A_132 : i32 to index
      %swap3A_138 = arith.constant 0 : index
      %swap3A_139 = tpu.vector_load %arg4[%swap3A, %swap3A_138] {strides = array<i32>} : memref<128x128xf32, #tpu.memory_space<vmem>>, vector<1x16xf32>,
      %swap3A_140 = vector.shape_cast %swap3A_139 : vector<1x16xf32> to vector<16xf32>
      %swap3A_141 = vector.shape_cast %gather3A_137 : vector<16xf32> to vector<1x16xf32>
      tpu.vector_store %arg4[%swap3A, %swap3A_138], %swap3A_141 {strides = array<i32>} : memref<128x128xf32, #tpu.memory_space<vmem>>, vector<1x16xf32>,
      %mul3A_142 = arith.constant 8 : i32
      %mul3A_143 = arith.muli %scan3A_128, %mul3A_142 : i32
      %add3A_144 = arith.constant 1 : i32
      %add3A_145 = arith.addi %mul3A_143, %add3A_144 : i32
      %get3A_146 = arith.index_cast %add3A_145 : i32 to index
      %get3A_147 = arith.constant 0 : index
      %get3A_148 = tpu.vector_load %arg4[%get3A_146, %get3A_147] {strides = array<i32>} : memref<128x128xf32, #tpu.memory_space<vmem>>, vector<1x16xf32>,
      %get3A_149 = vector.shape_cast %get3A_148 : vector<1x16xf32> to vector<16xf32>
      %broadcast_in_dim3A_150 = vector.shape_cast %select_n3A_10 : vector<16xi32> to vector<16x1xi32>
      %gather3A_151 = vector.shape_cast %broadcast_in_dim3A_150 : vector<16x1xi32> to vector<16xi32>
      %gather3A_152 = tpu.dynamic_gather %get3A_149[%gather3A_151] in [0] : vector<16xf32>, vector<16xi32> -> vector<16xf32>
      %swap3A_153 = arith.index_cast %add3A_145 : i32 to index
      %swap3A_154 = arith.constant 0 : index
      %swap3A_155 = tpu.vector_load %arg4[%swap3A_153, %swap3A_154] {strides = array<i32>} : memref<128x128xf32, #tpu.memory_space<vmem>>, vector<1x16xf32>,
      %swap3A_156 = vector.shape_cast %swap3A_155 : vector<1x16xf32> to vector<16xf32>
      %swap3A_157 = vector.shape_cast %gather3A_152 : vector<16xf32> to vector<1x16xf32>
      tpu.vector_store %arg4[%swap3A_153, %swap3A_154], %swap3A_157 {strides = array<i32>} : memref<128x128xf32, #tpu.memory_space<vmem>>, vector<1x16xf32>,
      %mul3A_158 = arith.constant 8 : i32
      %mul3A_159 = arith.muli %scan3A_128, %mul3A_158 : i32
      %add3A_160 = arith.constant 2 : i32
      %add3A_161 = arith.addi %mul3A_159, %add3A_160 : i32
      %get3A_162 = arith.index_cast %add3A_161 : i32 to index
      %get3A_163 = arith.constant 0 : index
      %get3A_164 = tpu.vector_load %arg4[%get3A_162, %get3A_163] {strides = array<i32>} : memref<128x128xf32, #tpu.memory_space<vmem>>, vector<1x16xf32>,
      %get3A_165 = vector.shape_cast %get3A_164 : vector<1x16xf32> to vector<16xf32>
      %broadcast_in_dim3A_166 = vector.shape_cast %select_n3A_10 : vector<16xi32> to vector<16x1xi32>
      %gather3A_167 = vector.shape_cast %broadcast_in_dim3A_166 : vector<16x1xi32> to vector<16xi32>
      %gather3A_168 = tpu.dynamic_gather %get3A_165[%gather3A_167] in [0] : vector<16xf32>, vector<16xi32> -> vector<16xf32>
      %swap3A_169 = arith.index_cast %add3A_161 : i32 to index
      %swap3A_170 = arith.constant 0 : index
      %swap3A_171 = tpu.vector_load %arg4[%swap3A_169, %swap3A_170] {strides = array<i32>} : memref<128x128xf32, #tpu.memory_space<vmem>>, vector<1x16xf32>,
      %swap3A_172 = vector.shape_cast %swap3A_171 : vector<1x16xf32> to vector<16xf32>
      %swap3A_173 = vector.shape_cast %gather3A_168 : vector<16xf32> to vector<1x16xf32>
      tpu.vector_store %arg4[%swap3A_169, %swap3A_170], %swap3A_173 {strides = array<i32>} : memref<128x128xf32, #tpu.memory_space<vmem>>, vector<1x16xf32>,
      %mul3A_174 = arith.constant 8 : i32
      %mul3A_175 = arith.muli %scan3A_128, %mul3A_174 : i32
      %add3A_176 = arith.constant 3 : i32
      %add3A_177 = arith.addi %mul3A_175, %add3A_176 : i32
      %get3A_178 = arith.index_cast %add3A_177 : i32 to index
      %get3A_179 = arith.constant 0 : index
      %get3A_180 = tpu.vector_load %arg4[%get3A_178, %get3A_179] {strides = array<i32>} : memref<128x128xf32, #tpu.memory_space<vmem>>, vector<1x16xf32>,
      %get3A_181 = vector.shape_cast %get3A_180 : vector<1x16xf32> to vector<16xf32>
      %broadcast_in_dim3A_182 = vector.shape_cast %select_n3A_10 : vector<16xi32> to vector<16x1xi32>
      %gather3A_183 = vector.shape_cast %broadcast_in_dim3A_182 : vector<16x1xi32> to vector<16xi32>
      %gather3A_184 = tpu.dynamic_gather %get3A_181[%gather3A_183] in [0] : vector<16xf32>, vector<16xi32> -> vector<16xf32>
      %swap3A_185 = arith.index_cast %add3A_177 : i32 to index
      %swap3A_186 = arith.constant 0 : index
      %swap3A_187 = tpu.vector_load %arg4[%swap3A_185, %swap3A_186] {strides = array<i32>} : memref<128x128xf32, #tpu.memory_space<vmem>>, vector<1x16xf32>,
      %swap3A_188 = vector.shape_cast %swap3A_187 : vector<1x16xf32> to vector<16xf32>
      %swap3A_189 = vector.shape_cast %gather3A_184 : vector<16xf32> to vector<1x16xf32>
      tpu.vector_store %arg4[%swap3A_185, %swap3A_186], %swap3A_189 {strides = array<i32>} : memref<128x128xf32, #tpu.memory_space<vmem>>, vector<1x16xf32>,
      %mul3A_190 = arith.constant 8 : i32
      %mul3A_191 = arith.muli %scan3A_128, %mul3A_190 : i32
      %add3A_192 = arith.constant 4 : i32
      %add3A_193 = arith.addi %mul3A_191, %add3A_192 : i32
      %get3A_194 = arith.index_cast %add3A_193 : i32 to index
      %get3A_195 = arith.constant 0 : index
      %get3A_196 = tpu.vector_load %arg4[%get3A_194, %get3A_195] {strides = array<i32>} : memref<128x128xf32, #tpu.memory_space<vmem>>, vector<1x16xf32>,
      %get3A_197 = vector.shape_cast %get3A_196 : vector<1x16xf32> to vector<16xf32>
      %broadcast_in_dim3A_198 = vector.shape_cast %select_n3A_10 : vector<16xi32> to vector<16x1xi32>
      %gather3A_199 = vector.shape_cast %broadcast_in_dim3A_198 : vector<16x1xi32> to vector<16xi32>
      %gather3A_200 = tpu.dynamic_gather %get3A_197[%gather3A_199] in [0] : vector<16xf32>, vector<16xi32> -> vector<16xf32>
      %swap3A_201 = arith.index_cast %add3A_193 : i32 to index
      %swap3A_202 = arith.constant 0 : index
      %swap3A_203 = tpu.vector_load %arg4[%swap3A_201, %swap3A_202] {strides = array<i32>} : memref<128x128xf32, #tpu.memory_space<vmem>>, vector<1x16xf32>,
      %swap3A_204 = vector.shape_cast %swap3A_203 : vector<1x16xf32> to vector<16xf32>
      %swap3A_205 = vector.shape_cast %gather3A_200 : vector<16xf32> to vector<1x16xf32>
      tpu.vector_store %arg4[%swap3A_201, %swap3A_202], %swap3A_205 {strides = array<i32>} : memref<128x128xf32, #tpu.memory_space<vmem>>, vector<1x16xf32>,
      %mul3A_206 = arith.constant 8 : i32
      %mul3A_207 = arith.muli %scan3A_128, %mul3A_206 : i32
      %add3A_208 = arith.constant 5 : i32
      %add3A_209 = arith.addi %mul3A_207, %add3A_208 : i32
      %get3A_210 = arith.index_cast %add3A_209 : i32 to index
      %get3A_211 = arith.constant 0 : index
      %get3A_212 = tpu.vector_load %arg4[%get3A_210, %get3A_211] {strides = array<i32>} : memref<128x128xf32, #tpu.memory_space<vmem>>, vector<1x16xf32>,
      %get3A_213 = vector.shape_cast %get3A_212 : vector<1x16xf32> to vector<16xf32>
      %broadcast_in_dim3A_214 = vector.shape_cast %select_n3A_10 : vector<16xi32> to vector<16x1xi32>
      %gather3A_215 = vector.shape_cast %broadcast_in_dim3A_214 : vector<16x1xi32> to vector<16xi32>
      %gather3A_216 = tpu.dynamic_gather %get3A_213[%gather3A_215] in [0] : vector<16xf32>, vector<16xi32> -> vector<16xf32>
      %swap3A_217 = arith.index_cast %add3A_209 : i32 to index
      %swap3A_218 = arith.constant 0 : index
      %swap3A_219 = tpu.vector_load %arg4[%swap3A_217, %swap3A_218] {strides = array<i32>} : memref<128x128xf32, #tpu.memory_space<vmem>>, vector<1x16xf32>,
      %swap3A_220 = vector.shape_cast %swap3A_219 : vector<1x16xf32> to vector<16xf32>
      %swap3A_221 = vector.shape_cast %gather3A_216 : vector<16xf32> to vector<1x16xf32>
      tpu.vector_store %arg4[%swap3A_217, %swap3A_218], %swap3A_221 {strides = array<i32>} : memref<128x128xf32, #tpu.memory_space<vmem>>, vector<1x16xf32>,
      %mul3A_222 = arith.constant 8 : i32
      %mul3A_223 = arith.muli %scan3A_128, %mul3A_222 : i32
      %add3A_224 = arith.constant 6 : i32
      %add3A_225 = arith.addi %mul3A_223, %add3A_224 : i32
      %get3A_226 = arith.index_cast %add3A_225 : i32 to index
      %get3A_227 = arith.constant 0 : index
      %get3A_228 = tpu.vector_load %arg4[%get3A_226, %get3A_227] {strides = array<i32>} : memref<128x128xf32, #tpu.memory_space<vmem>>, vector<1x16xf32>,
      %get3A_229 = vector.shape_cast %get3A_228 : vector<1x16xf32> to vector<16xf32>
      %broadcast_in_dim3A_230 = vector.shape_cast %select_n3A_10 : vector<16xi32> to vector<16x1xi32>
      %gather3A_231 = vector.shape_cast %broadcast_in_dim3A_230 : vector<16x1xi32> to vector<16xi32>
      %gather3A_232 = tpu.dynamic_gather %get3A_229[%gather3A_231] in [0] : vector<16xf32>, vector<16xi32> -> vector<16xf32>
      %swap3A_233 = arith.index_cast %add3A_225 : i32 to index
      %swap3A_234 = arith.constant 0 : index
      %swap3A_235 = tpu.vector_load %arg4[%swap3A_233, %swap3A_234] {strides = array<i32>} : memref<128x128xf32, #tpu.memory_space<vmem>>, vector<1x16xf32>,
      %swap3A_236 = vector.shape_cast %swap3A_235 : vector<1x16xf32> to vector<16xf32>
      %swap3A_237 = vector.shape_cast %gather3A_232 : vector<16xf32> to vector<1x16xf32>
      tpu.vector_store %arg4[%swap3A_233, %swap3A_234], %swap3A_237 {strides = array<i32>} : memref<128x128xf32, #tpu.memory_space<vmem>>, vector<1x16xf32>,
      %mul3A_238 = arith.constant 8 : i32
      %mul3A_239 = arith.muli %scan3A_128, %mul3A_238 : i32
      %add3A_240 = arith.constant 7 : i32
      %add3A_241 = arith.addi %mul3A_239, %add3A_240 : i32
      %get3A_242 = arith.index_cast %add3A_241 : i32 to index
      %get3A_243 = arith.constant 0 : index
      %get3A_244 = tpu.vector_load %arg4[%get3A_242, %get3A_243] {strides = array<i32>} : memref<128x128xf32, #tpu.memory_space<vmem>>, vector<1x16xf32>,
      %get3A_245 = vector.shape_cast %get3A_244 : vector<1x16xf32> to vector<16xf32>
      %broadcast_in_dim3A_246 = vector.shape_cast %select_n3A_10 : vector<16xi32> to vector<16x1xi32>
      %gather3A_247 = vector.shape_cast %broadcast_in_dim3A_246 : vector<16x1xi32> to vector<16xi32>
      %gather3A_248 = tpu.dynamic_gather %get3A_245[%gather3A_247] in [0] : vector<16xf32>, vector<16xi32> -> vector<16xf32>
      %swap3A_249 = arith.index_cast %add3A_241 : i32 to index
      %swap3A_250 = arith.constant 0 : index
      %swap3A_251 = tpu.vector_load %arg4[%swap3A_249, %swap3A_250] {strides = array<i32>} : memref<128x128xf32, #tpu.memory_space<vmem>>, vector<1x16xf32>,
      %swap3A_252 = vector.shape_cast %swap3A_251 : vector<1x16xf32> to vector<16xf32>
      %swap3A_253 = vector.shape_cast %gather3A_248 : vector<16xf32> to vector<1x16xf32>
      tpu.vector_store %arg4[%swap3A_249, %swap3A_250], %swap3A_253 {strides = array<i32>} : memref<128x128xf32, #tpu.memory_space<vmem>>, vector<1x16xf32>,
    }
    %scan3A_91 = arith.constant 16 : i32
    %add3A_92 = arith.constant 256 : i32
    %add3A_93 = arith.addi %mul3A_2, %add3A_92 : i32
    %dma_start3A_94 = arith.constant 0 : i32
    %dma_start3A_95 = tpu.memref_slice %arg3[%add3A_93, %dma_start3A_94] : memref<16384x128xf32, #tpu.memory_space<hbm>> -> memref<128x128xf32, #tpu.memory_space<hbm>>
    %dma_start3A_96 = arith.constant 0 : i32
    %dma_start3A_97 = tpu.memref_slice %arg3[%add3A_93, %dma_start3A_96] : memref<16384x128xf32, #tpu.memory_space<hbm>> -> memref<128x128xf32, #tpu.memory_space<hbm>>
    tpu.enqueue_dma source(%arg4 : memref<128x128xf32, #tpu.memory_space<vmem>>) target(%dma_start3A_97 : memref<128x128xf32, #tpu.memory_space<hbm>>) target_semaphore(%arg8 : memref<!tpu.dma_semaphore, #tpu.memory_space<semaphore_mem>>)
    %add3A_98 = arith.constant 384 : i32
    %add3A_99 = arith.addi %mul3A_2, %add3A_98 : i32
    %dma_wait3A_100 = arith.constant 0 : i32
    %dma_wait3A_101 = tpu.memref_slice %arg2[%add3A_99, %dma_wait3A_100] : memref<16384x4096xf32, #tpu.memory_space<hbm>> -> memref<128x128xf32, #tpu.memory_space<hbm>>
    %dma_wait3A_102 = arith.constant 0 : i32
    %dma_wait3A_103 = tpu.memref_slice %arg2[%add3A_99, %dma_wait3A_102] : memref<16384x4096xf32, #tpu.memory_space<hbm>> -> memref<128x128xf32, #tpu.memory_space<hbm>>
    tpu.wait_dma2 semaphore(%arg7 : memref<!tpu.dma_semaphore, #tpu.memory_space<semaphore_mem>>) src(%dma_wait3A_103 : memref<128x128xf32, #tpu.memory_space<hbm>>) dst(%arg5 : memref<128x128xf32, #tpu.memory_space<vmem>>)
    %scan3A_104 = arith.constant 0 : i32
    %scan3A_105 = arith.constant 0 : i32
    %scan3A_106 = arith.constant 16 : i32
    %scan3A_107 = arith.addi %scan3A_105, %scan3A_106 : i32
    %scan3A_108 = arith.constant 1 : i32
    scf.for %scan3A_128 = %scan3A_105 to %scan3A_107 step %scan3A_108  : i32 {
      %mul3A_129 = arith.constant 8 : i32
      %mul3A_130 = arith.muli %scan3A_128, %mul3A_129 : i32
      %add3A_131 = arith.constant 0 : i32
      %add3A_132 = arith.addi %mul3A_130, %add3A_131 : i32
      %get3A = arith.index_cast %add3A_132 : i32 to index
      %get3A_133 = arith.constant 0 : index
      %get3A_134 = tpu.vector_load %arg5[%get3A, %get3A_133] {strides = array<i32>} : memref<128x128xf32, #tpu.memory_space<vmem>>, vector<1x16xf32>,
      %get3A_135 = vector.shape_cast %get3A_134 : vector<1x16xf32> to vector<16xf32>
      %broadcast_in_dim3A_136 = vector.shape_cast %select_n3A_10 : vector<16xi32> to vector<16x1xi32>
      %gather3A = vector.shape_cast %broadcast_in_dim3A_136 : vector<16x1xi32> to vector<16xi32>
      %gather3A_137 = tpu.dynamic_gather %get3A_135[%gather3A] in [0] : vector<16xf32>, vector<16xi32> -> vector<16xf32>
      %swap3A = arith.index_cast %add3A_132 : i32 to index
      %swap3A_138 = arith.constant 0 : index
      %swap3A_139 = tpu.vector_load %arg5[%swap3A, %swap3A_138] {strides = array<i32>} : memref<128x128xf32, #tpu.memory_space<vmem>>, vector<1x16xf32>,
      %swap3A_140 = vector.shape_cast %swap3A_139 : vector<1x16xf32> to vector<16xf32>
      %swap3A_141 = vector.shape_cast %gather3A_137 : vector<16xf32> to vector<1x16xf32>
      tpu.vector_store %arg5[%swap3A, %swap3A_138], %swap3A_141 {strides = array<i32>} : memref<128x128xf32, #tpu.memory_space<vmem>>, vector<1x16xf32>,
      %mul3A_142 = arith.constant 8 : i32
      %mul3A_143 = arith.muli %scan3A_128, %mul3A_142 : i32
      %add3A_144 = arith.constant 1 : i32
      %add3A_145 = arith.addi %mul3A_143, %add3A_144 : i32
      %get3A_146 = arith.index_cast %add3A_145 : i32 to index
      %get3A_147 = arith.constant 0 : index
      %get3A_148 = tpu.vector_load %arg5[%get3A_146, %get3A_147] {strides = array<i32>} : memref<128x128xf32, #tpu.memory_space<vmem>>, vector<1x16xf32>,
      %get3A_149 = vector.shape_cast %get3A_148 : vector<1x16xf32> to vector<16xf32>
      %broadcast_in_dim3A_150 = vector.shape_cast %select_n3A_10 : vector<16xi32> to vector<16x1xi32>
      %gather3A_151 = vector.shape_cast %broadcast_in_dim3A_150 : vector<16x1xi32> to vector<16xi32>
      %gather3A_152 = tpu.dynamic_gather %get3A_149[%gather3A_151] in [0] : vector<16xf32>, vector<16xi32> -> vector<16xf32>
      %swap3A_153 = arith.index_cast %add3A_145 : i32 to index
      %swap3A_154 = arith.constant 0 : index
      %swap3A_155 = tpu.vector_load %arg5[%swap3A_153, %swap3A_154] {strides = array<i32>} : memref<128x128xf32, #tpu.memory_space<vmem>>, vector<1x16xf32>,
      %swap3A_156 = vector.shape_cast %swap3A_155 : vector<1x16xf32> to vector<16xf32>
      %swap3A_157 = vector.shape_cast %gather3A_152 : vector<16xf32> to vector<1x16xf32>
      tpu.vector_store %arg5[%swap3A_153, %swap3A_154], %swap3A_157 {strides = array<i32>} : memref<128x128xf32, #tpu.memory_space<vmem>>, vector<1x16xf32>,
      %mul3A_158 = arith.constant 8 : i32
      %mul3A_159 = arith.muli %scan3A_128, %mul3A_158 : i32
      %add3A_160 = arith.constant 2 : i32
      %add3A_161 = arith.addi %mul3A_159, %add3A_160 : i32
      %get3A_162 = arith.index_cast %add3A_161 : i32 to index
      %get3A_163 = arith.constant 0 : index
      %get3A_164 = tpu.vector_load %arg5[%get3A_162, %get3A_163] {strides = array<i32>} : memref<128x128xf32, #tpu.memory_space<vmem>>, vector<1x16xf32>,
      %get3A_165 = vector.shape_cast %get3A_164 : vector<1x16xf32> to vector<16xf32>
      %broadcast_in_dim3A_166 = vector.shape_cast %select_n3A_10 : vector<16xi32> to vector<16x1xi32>
      %gather3A_167 = vector.shape_cast %broadcast_in_dim3A_166 : vector<16x1xi32> to vector<16xi32>
      %gather3A_168 = tpu.dynamic_gather %get3A_165[%gather3A_167] in [0] : vector<16xf32>, vector<16xi32> -> vector<16xf32>
      %swap3A_169 = arith.index_cast %add3A_161 : i32 to index
      %swap3A_170 = arith.constant 0 : index
      %swap3A_171 = tpu.vector_load %arg5[%swap3A_169, %swap3A_170] {strides = array<i32>} : memref<128x128xf32, #tpu.memory_space<vmem>>, vector<1x16xf32>,
      %swap3A_172 = vector.shape_cast %swap3A_171 : vector<1x16xf32> to vector<16xf32>
      %swap3A_173 = vector.shape_cast %gather3A_168 : vector<16xf32> to vector<1x16xf32>
      tpu.vector_store %arg5[%swap3A_169, %swap3A_170], %swap3A_173 {strides = array<i32>} : memref<128x128xf32, #tpu.memory_space<vmem>>, vector<1x16xf32>,
      %mul3A_174 = arith.constant 8 : i32
      %mul3A_175 = arith.muli %scan3A_128, %mul3A_174 : i32
      %add3A_176 = arith.constant 3 : i32
      %add3A_177 = arith.addi %mul3A_175, %add3A_176 : i32
      %get3A_178 = arith.index_cast %add3A_177 : i32 to index
      %get3A_179 = arith.constant 0 : index
      %get3A_180 = tpu.vector_load %arg5[%get3A_178, %get3A_179] {strides = array<i32>} : memref<128x128xf32, #tpu.memory_space<vmem>>, vector<1x16xf32>,
      %get3A_181 = vector.shape_cast %get3A_180 : vector<1x16xf32> to vector<16xf32>
      %broadcast_in_dim3A_182 = vector.shape_cast %select_n3A_10 : vector<16xi32> to vector<16x1xi32>
      %gather3A_183 = vector.shape_cast %broadcast_in_dim3A_182 : vector<16x1xi32> to vector<16xi32>
      %gather3A_184 = tpu.dynamic_gather %get3A_181[%gather3A_183] in [0] : vector<16xf32>, vector<16xi32> -> vector<16xf32>
      %swap3A_185 = arith.index_cast %add3A_177 : i32 to index
      %swap3A_186 = arith.constant 0 : index
      %swap3A_187 = tpu.vector_load %arg5[%swap3A_185, %swap3A_186] {strides = array<i32>} : memref<128x128xf32, #tpu.memory_space<vmem>>, vector<1x16xf32>,
      %swap3A_188 = vector.shape_cast %swap3A_187 : vector<1x16xf32> to vector<16xf32>
      %swap3A_189 = vector.shape_cast %gather3A_184 : vector<16xf32> to vector<1x16xf32>
      tpu.vector_store %arg5[%swap3A_185, %swap3A_186], %swap3A_189 {strides = array<i32>} : memref<128x128xf32, #tpu.memory_space<vmem>>, vector<1x16xf32>,
      %mul3A_190 = arith.constant 8 : i32
      %mul3A_191 = arith.muli %scan3A_128, %mul3A_190 : i32
      %add3A_192 = arith.constant 4 : i32
      %add3A_193 = arith.addi %mul3A_191, %add3A_192 : i32
      %get3A_194 = arith.index_cast %add3A_193 : i32 to index
      %get3A_195 = arith.constant 0 : index
      %get3A_196 = tpu.vector_load %arg5[%get3A_194, %get3A_195] {strides = array<i32>} : memref<128x128xf32, #tpu.memory_space<vmem>>, vector<1x16xf32>,
      %get3A_197 = vector.shape_cast %get3A_196 : vector<1x16xf32> to vector<16xf32>
      %broadcast_in_dim3A_198 = vector.shape_cast %select_n3A_10 : vector<16xi32> to vector<16x1xi32>
      %gather3A_199 = vector.shape_cast %broadcast_in_dim3A_198 : vector<16x1xi32> to vector<16xi32>
      %gather3A_200 = tpu.dynamic_gather %get3A_197[%gather3A_199] in [0] : vector<16xf32>, vector<16xi32> -> vector<16xf32>
      %swap3A_201 = arith.index_cast %add3A_193 : i32 to index
      %swap3A_202 = arith.constant 0 : index
      %swap3A_203 = tpu.vector_load %arg5[%swap3A_201, %swap3A_202] {strides = array<i32>} : memref<128x128xf32, #tpu.memory_space<vmem>>, vector<1x16xf32>,
      %swap3A_204 = vector.shape_cast %swap3A_203 : vector<1x16xf32> to vector<16xf32>
      %swap3A_205 = vector.shape_cast %gather3A_200 : vector<16xf32> to vector<1x16xf32>
      tpu.vector_store %arg5[%swap3A_201, %swap3A_202], %swap3A_205 {strides = array<i32>} : memref<128x128xf32, #tpu.memory_space<vmem>>, vector<1x16xf32>,
      %mul3A_206 = arith.constant 8 : i32
      %mul3A_207 = arith.muli %scan3A_128, %mul3A_206 : i32
      %add3A_208 = arith.constant 5 : i32
      %add3A_209 = arith.addi %mul3A_207, %add3A_208 : i32
      %get3A_210 = arith.index_cast %add3A_209 : i32 to index
      %get3A_211 = arith.constant 0 : index
      %get3A_212 = tpu.vector_load %arg5[%get3A_210, %get3A_211] {strides = array<i32>} : memref<128x128xf32, #tpu.memory_space<vmem>>, vector<1x16xf32>,
      %get3A_213 = vector.shape_cast %get3A_212 : vector<1x16xf32> to vector<16xf32>
      %broadcast_in_dim3A_214 = vector.shape_cast %select_n3A_10 : vector<16xi32> to vector<16x1xi32>
      %gather3A_215 = vector.shape_cast %broadcast_in_dim3A_214 : vector<16x1xi32> to vector<16xi32>
      %gather3A_216 = tpu.dynamic_gather %get3A_213[%gather3A_215] in [0] : vector<16xf32>, vector<16xi32> -> vector<16xf32>
      %swap3A_217 = arith.index_cast %add3A_209 : i32 to index
      %swap3A_218 = arith.constant 0 : index
      %swap3A_219 = tpu.vector_load %arg5[%swap3A_217, %swap3A_218] {strides = array<i32>} : memref<128x128xf32, #tpu.memory_space<vmem>>, vector<1x16xf32>,
      %swap3A_220 = vector.shape_cast %swap3A_219 : vector<1x16xf32> to vector<16xf32>
      %swap3A_221 = vector.shape_cast %gather3A_216 : vector<16xf32> to vector<1x16xf32>
      tpu.vector_store %arg5[%swap3A_217, %swap3A_218], %swap3A_221 {strides = array<i32>} : memref<128x128xf32, #tpu.memory_space<vmem>>, vector<1x16xf32>,
      %mul3A_222 = arith.constant 8 : i32
      %mul3A_223 = arith.muli %scan3A_128, %mul3A_222 : i32
      %add3A_224 = arith.constant 6 : i32
      %add3A_225 = arith.addi %mul3A_223, %add3A_224 : i32
      %get3A_226 = arith.index_cast %add3A_225 : i32 to index
      %get3A_227 = arith.constant 0 : index
      %get3A_228 = tpu.vector_load %arg5[%get3A_226, %get3A_227] {strides = array<i32>} : memref<128x128xf32, #tpu.memory_space<vmem>>, vector<1x16xf32>,
      %get3A_229 = vector.shape_cast %get3A_228 : vector<1x16xf32> to vector<16xf32>
      %broadcast_in_dim3A_230 = vector.shape_cast %select_n3A_10 : vector<16xi32> to vector<16x1xi32>
      %gather3A_231 = vector.shape_cast %broadcast_in_dim3A_230 : vector<16x1xi32> to vector<16xi32>
      %gather3A_232 = tpu.dynamic_gather %get3A_229[%gather3A_231] in [0] : vector<16xf32>, vector<16xi32> -> vector<16xf32>
      %swap3A_233 = arith.index_cast %add3A_225 : i32 to index
      %swap3A_234 = arith.constant 0 : index
      %swap3A_235 = tpu.vector_load %arg5[%swap3A_233, %swap3A_234] {strides = array<i32>} : memref<128x128xf32, #tpu.memory_space<vmem>>, vector<1x16xf32>,
      %swap3A_236 = vector.shape_cast %swap3A_235 : vector<1x16xf32> to vector<16xf32>
      %swap3A_237 = vector.shape_cast %gather3A_232 : vector<16xf32> to vector<1x16xf32>
      tpu.vector_store %arg5[%swap3A_233, %swap3A_234], %swap3A_237 {strides = array<i32>} : memref<128x128xf32, #tpu.memory_space<vmem>>, vector<1x16xf32>,
      %mul3A_238 = arith.constant 8 : i32
      %mul3A_239 = arith.muli %scan3A_128, %mul3A_238 : i32
      %add3A_240 = arith.constant 7 : i32
      %add3A_241 = arith.addi %mul3A_239, %add3A_240 : i32
      %get3A_242 = arith.index_cast %add3A_241 : i32 to index
      %get3A_243 = arith.constant 0 : index
      %get3A_244 = tpu.vector_load %arg5[%get3A_242, %get3A_243] {strides = array<i32>} : memref<128x128xf32, #tpu.memory_space<vmem>>, vector<1x16xf32>,
      %get3A_245 = vector.shape_cast %get3A_244 : vector<1x16xf32> to vector<16xf32>
      %broadcast_in_dim3A_246 = vector.shape_cast %select_n3A_10 : vector<16xi32> to vector<16x1xi32>
      %gather3A_247 = vector.shape_cast %broadcast_in_dim3A_246 : vector<16x1xi32> to vector<16xi32>
      %gather3A_248 = tpu.dynamic_gather %get3A_245[%gather3A_247] in [0] : vector<16xf32>, vector<16xi32> -> vector<16xf32>
      %swap3A_249 = arith.index_cast %add3A_241 : i32 to index
      %swap3A_250 = arith.constant 0 : index
      %swap3A_251 = tpu.vector_load %arg5[%swap3A_249, %swap3A_250] {strides = array<i32>} : memref<128x128xf32, #tpu.memory_space<vmem>>, vector<1x16xf32>,
      %swap3A_252 = vector.shape_cast %swap3A_251 : vector<1x16xf32> to vector<16xf32>
      %swap3A_253 = vector.shape_cast %gather3A_248 : vector<16xf32> to vector<1x16xf32>
      tpu.vector_store %arg5[%swap3A_249, %swap3A_250], %swap3A_253 {strides = array<i32>} : memref<128x128xf32, #tpu.memory_space<vmem>>, vector<1x16xf32>,
    }
    %scan3A_109 = arith.constant 16 : i32
    %add3A_110 = arith.constant 384 : i32
    %add3A_111 = arith.addi %mul3A_2, %add3A_110 : i32
    %dma_start3A_112 = arith.constant 0 : i32
    %dma_start3A_113 = tpu.memref_slice %arg3[%add3A_111, %dma_start3A_112] : memref<16384x128xf32, #tpu.memory_space<hbm>> -> memref<128x128xf32, #tpu.memory_space<hbm>>
    %dma_start3A_114 = arith.constant 0 : i32
    %dma_start3A_115 = tpu.memref_slice %arg3[%add3A_111, %dma_start3A_114] : memref<16384x128xf32, #tpu.memory_space<hbm>> -> memref<128x128xf32, #tpu.memory_space<hbm>>
    tpu.enqueue_dma source(%arg5 : memref<128x128xf32, #tpu.memory_space<vmem>>) target(%dma_start3A_115 : memref<128x128xf32, #tpu.memory_space<hbm>>) target_semaphore(%arg9 : memref<!tpu.dma_semaphore, #tpu.memory_space<semaphore_mem>>)
    %add3A_116 = arith.constant 256 : i32
    %add3A_117 = arith.addi %mul3A_2, %add3A_116 : i32
    %dma_wait3A_118 = arith.constant 0 : i32
    %dma_wait3A_119 = tpu.memref_slice %arg3[%add3A_117, %dma_wait3A_118] : memref<16384x128xf32, #tpu.memory_space<hbm>> -> memref<128x128xf32, #tpu.memory_space<hbm>>
    %dma_wait3A_120 = arith.constant 0 : i32
    %dma_wait3A_121 = tpu.memref_slice %arg3[%add3A_117, %dma_wait3A_120] : memref<16384x128xf32, #tpu.memory_space<hbm>> -> memref<128x128xf32, #tpu.memory_space<hbm>>
    tpu.wait_dma2 semaphore(%arg8 : memref<!tpu.dma_semaphore, #tpu.memory_space<semaphore_mem>>) src(%arg4 : memref<128x128xf32, #tpu.memory_space<vmem>>) dst(%dma_wait3A_121 : memref<128x128xf32, #tpu.memory_space<hbm>>)
    %add3A_122 = arith.constant 384 : i32
    %add3A_123 = arith.addi %mul3A_2, %add3A_122 : i32
    %dma_wait3A_124 = arith.constant 0 : i32
    %dma_wait3A_125 = tpu.memref_slice %arg3[%add3A_123, %dma_wait3A_124] : memref<16384x128xf32, #tpu.memory_space<hbm>> -> memref<128x128xf32, #tpu.memory_space<hbm>>
    %dma_wait3A_126 = arith.constant 0 : i32
    %dma_wait3A_127 = tpu.memref_slice %arg3[%add3A_123, %dma_wait3A_126] : memref<16384x128xf32, #tpu.memory_space<hbm>> -> memref<128x128xf32, #tpu.memory_space<hbm>>
    tpu.wait_dma2 semaphore(%arg9 : memref<!tpu.dma_semaphore, #tpu.memory_space<semaphore_mem>>) src(%arg5 : memref<128x128xf32, #tpu.memory_space<vmem>>) dst(%dma_wait3A_127 : memref<128x128xf32, #tpu.memory_space<hbm>>)
    return
  }
}

module attributes {stable_mosaic.version = 14 : i64} {
  func.func @_tc_copy_body(%arg0: i32, %arg1: memref<512x4096xf32, #tpu.memory_space<vmem>>, %arg2: memref<512x128xf32, #tpu.memory_space<vmem>>, %arg3: memref<512x4096xf32, #tpu.memory_space<vmem>>) attributes {dimension_semantics = [#tpu.dimension_semantics<arbitrary>], iteration_bounds = array<i64: 32>, scalar_prefetch = 0 : i64, scratch_operands = 0 : i64, tpu.core_type = #tpu.core_type<tc>, window_params = [{transform_indices = @transform_0, window_bounds = array<i64: 512, 4096>}, {transform_indices = @transform_1, window_bounds = array<i64: 512, 128>}, {transform_indices = @transform_2, window_bounds = array<i64: 512, 4096>}]} {
    %get3A = arith.constant 0 : index
    %get3A_0 = arith.constant 0 : index
    %get3A_1 = vector.load %arg1[%get3A, %get3A_0] : memref<512x4096xf32, #tpu.memory_space<vmem>>, vector<512x4096xf32>
    %swap3A = arith.constant 0 : index
    %swap3A_2 = arith.constant 0 : index
    %swap3A_3 = vector.load %arg3[%swap3A, %swap3A_2] : memref<512x4096xf32, #tpu.memory_space<vmem>>, vector<512x4096xf32>
    tpu.vector_store %arg3[%swap3A, %swap3A_2], %get3A_1 {strides = array<i32>} : memref<512x4096xf32, #tpu.memory_space<vmem>>, vector<512x4096xf32>,
    %get3A_4 = arith.constant 0 : index
    %get3A_5 = arith.constant 0 : index
    %get3A_6 = vector.load %arg2[%get3A_4, %get3A_5] : memref<512x128xf32, #tpu.memory_space<vmem>>, vector<512x128xf32>
    %swap3A_7 = arith.constant 0 : index
    %swap3A_8 = arith.constant 0 : index
    %swap3A_9 = vector.load %arg3[%swap3A_7, %swap3A_8] : memref<512x4096xf32, #tpu.memory_space<vmem>>, vector<512x128xf32>
    tpu.vector_store %arg3[%swap3A_7, %swap3A_8], %get3A_6 {strides = array<i32>} : memref<512x4096xf32, #tpu.memory_space<vmem>>, vector<512x128xf32>,
    return
  }
  func.func @transform_0(%arg0: i32) -> (i32, i32) {
    %c0_i32 = arith.constant 0 : i32
    %c0_i32_0 = arith.constant 0 : i32
    return %arg0, %c0_i32 : i32, i32
  }
  func.func @transform_1(%arg0: i32) -> (i32, i32) {
    %c0_i32 = arith.constant 0 : i32
    %c0_i32_0 = arith.constant 0 : i32
    return %arg0, %c0_i32 : i32, i32
  }
  func.func @transform_2(%arg0: i32) -> (i32, i32) {
    %c0_i32 = arith.constant 0 : i32
    %c0_i32_0 = arith.constant 0 : i32
    return %arg0, %c0_i32 : i32, i32
  }
}

</mosaic_0001>

<sc_bundles>
// kernel: kernel.4.cloned.1.call-start
scs
__scs_entry_jumppad:
0x0: {  	(pc) =	sbr.rel $0x88, $3  }
0x1: {  	(tag) =	ssettag $0x0;
	lr =	simm.s32 $0x1  }
0x2: {  	[smem:$0x3FA0] =	sst lr;
	_ =	strace $0xD0000000  }
0x3: {  	_ = 	snop  }
0x4: {  	_ = 	snop  }
0x5: {  	_ = 	snop  }
0x6: {  	_ = 	snop  }
0x7: {  	_ = 	snop  }
__scs_overlays_trampoline_lowered:
0x8: {  	[smem:$0x3FAF] =	sst s0  }
0x9: {  	[smem:$0x3FB0] =	sst s1  }
0xa: {  	[smem:$0x3FB1] =	sst s2  }
0xb: {  	[smem:$0x3FB2] =	sst s3  }
0xc: {  	[smem:$0x3FB3] =	sst s4  }
0xd: {  	[smem:$0x3FB4] =	sst s5  }
0xe: {  	[smem:$0x3FB5] =	sst s6  }
0xf: {  	[smem:$0x3FB6] =	sst s7  }
0x10: {  	[smem:$0x3FB7] =	sst s8  }
0x11: {  	[smem:$0x3FB8] =	sst s9;
	s0 =	simm.s32 @!p0 $0x0  }
0x12: {  	s1 =	sld [smem:$0x3F9E];
	s0 =	simm.s32 @p0 $0x1  }
0x13: {  	[smem:$0x3FB9] =	sst s0;
	s0 =	simm.s32 @!p1 $0x0  }
0x14: {  	s2 =	sld [smem:$0x3F9D];
	s0 =	simm.s32 @p1 $0x1  }
0x15: {  	[smem:$0x3FBA] =	sst s0;
	s0 =	simm.s32 @!p2 $0x0  }
0x16: {  	s3 =	sld [smem:$0x3FDB];
	s0 =	simm.s32 @p2 $0x1  }
0x17: {  	s4 =	simm.s32 $0x1BF5;
	[smem:$0x3FBC] =	sst s0  }
0x18: {  	s0 =	sld [smem:$0x3F9F];
	_ =	swait.ge [sflag:s4], $0x0  }
0x19: {  	s7 =	sld [smem:$0x3FA0]  }
0x1a: {  	s8 =	sadd.s32 $0xFFFFE003, lr  }
0x1b: {  	s9 =	sadd.s32 $0xFFFFFEF7, lr;
	s5 =	simm.s32 $0xFFFFFFFF;
	p2 =	slt.u32 s8, $0xFFFFF086  }
0x1c: {  	p1 =	slt.u32 s9, $0xF7A;
	s5 =	simm.s32 @!p2 $0x0  }
0x1d: {  	s5 =	simm.s32 @p1 $0x1;
	p0 =	seq.s32 s7, s2  }
0x1e: {  	s7 =	smul.u32 @!p0 $0xF7A, s2;
	p2 =	seq.s32 @!p0 s5, $0x0  }
0x1f: {  	s9 =	smul.u32 $0xF7A, s1;
	s8 =	simm.s32 @!p0 $0x1BF5;
	p2 =	por !p2, p0  }
0x20: {  	[sflag:s8] =	ssyncset.s32 @!p0 $0xFFFFF086;
	s6 =	sadd.s32 @!p0 s3, s7;
	s7 =	simm.s32 @!p0 $0x108  }
0x21: {  	s3 =	sadd.s32 s3, s9;
	s6 =	sadd.s32 @!p0 $0x88, s6;
	s7 =	simm.s32 @p2 $0x1082  }
0x22: {  	[simem:s7], [sflag:s8] =	dma.local @!p0 [hbm:s6], $0xF7A  }
0x23: {  	s9 =	sor.u32 $0xD0000000, s2;
	s6 =	simm.s32 $0x108;
	_ =	swait.ge @!p0 [sflag:s8], $0x0  }
0x24: {  	s3 =	sadd.s32 $0x88, s3;
	s6 =	simm.s32 @!p1 $0x1082;
	[sflag:s4] =	ssyncset.s32 $0xFFFFF086  }
0x25: {  	[simem:s6], [sflag:s4] =	dma.local [hbm:s3], $0xF7A  }
0x26: {  	[smem:$0x3FA0] =	sst s1;
	(tag) =	ssettag s2;
	_ =	strace s9  }
0x27: {  	s1 =	sld [smem:$0x3FB0]  }
0x28: {  	s2 =	sld [smem:$0x3FB1]  }
0x29: {  	s4 =	sld [smem:$0x3FB3]  }
0x2a: {  	p0 =	seq.s32 s5, $0x0;
	s5 =	sld [smem:$0x3FB4]  }
0x2b: {  	s6 =	sld [smem:$0x3FB5]  }
0x2c: {  	s7 =	sld [smem:$0x3FB6]  }
0x2d: {  	s3 =	simm.s32 $0x108;
	s8 =	sld [smem:$0x3FB7]  }
0x2e: {  	s3 =	simm.s32 @!p0 $0x1082;
	s9 =	sld [smem:$0x3FB8]  }
0x2f: {  	lr =	sadd.s32 s0, s3;
	s0 =	sld [smem:$0x3FAF]  }
0x30: {  	s3 =	sld [smem:$0x3FB2]  }
0x31: {  	[smem:$0x3FBB] =	sst s10  }
0x32: {  	s10 =	sld [smem:$0x3FB9];
	_ =	sdelay $0x3  }
0x33: {  	p0 =	seq.s32 s10, $0x1;
	s10 =	sld [smem:$0x3FBB];
	_ =	sdelay $0x3  }
0x34: {  	[smem:$0x3FBB] =	sst s10  }
0x35: {  	s10 =	sld [smem:$0x3FBA];
	_ =	sdelay $0x3  }
0x36: {  	p1 =	seq.s32 s10, $0x1;
	s10 =	sld [smem:$0x3FBB];
	_ =	sdelay $0x3  }
0x37: {  	[smem:$0x3FBB] =	sst s10  }
0x38: {  	s10 =	sld [smem:$0x3FBC]  }
0x39: {  	_ = 	snop;
	(pc) =	sbr.ind lr, $3  }
0x3a: {  	_ = 	snop  }
0x3b: {  	_ = 	snop  }
0x3c: {  	p2 =	seq.s32 s10, $0x1;
	s10 =	sld [smem:$0x3FBB]  }
0x3d: {  	_ =	shalt  }
0x3e: {  	_ =	shalt  }
0x3f: {  	_ =	shalt  }
0x40: {  	_ =	shalt  }
0x41: {  	_ =	shalt  }
0x42: {  	_ =	shalt  }
0x43: {  	_ =	shalt  }
0x44: {  	_ =	shalt  }
0x45: {  	_ =	shalt  }
0x46: {  	_ =	shalt  }
0x47: {  	_ =	shalt  }
0x48: {  	_ =	shalt  }
0x49: {  	_ =	shalt  }
0x4a: {  	_ =	shalt  }
0x4b: {  	_ =	shalt  }
0x4c: {  	_ =	shalt  }
0x4d: {  	_ =	shalt  }
0x4e: {  	_ =	shalt  }
0x4f: {  	_ =	shalt  }
0x50: {  	_ =	shalt  }
0x51: {  	_ =	shalt  }
0x52: {  	_ =	shalt  }
0x53: {  	_ =	shalt  }
0x54: {  	_ =	shalt  }
0x55: {  	_ =	shalt  }
0x56: {  	_ =	shalt  }
0x57: {  	_ =	shalt  }
0x58: {  	_ =	shalt  }
0x59: {  	_ =	shalt  }
0x5a: {  	_ =	shalt  }
0x5b: {  	_ =	shalt  }
0x5c: {  	_ =	shalt  }
0x5d: {  	_ =	shalt  }
0x5e: {  	_ =	shalt  }
0x5f: {  	_ =	shalt  }
0x60: {  	_ =	shalt  }
0x61: {  	_ =	shalt  }
0x62: {  	_ =	shalt  }
0x63: {  	_ =	shalt  }
0x64: {  	_ =	shalt  }
0x65: {  	_ =	shalt  }
0x66: {  	_ =	shalt  }
0x67: {  	_ =	shalt  }
0x68: {  	_ =	shalt  }
0x69: {  	_ =	shalt  }
0x6a: {  	_ =	shalt  }
0x6b: {  	_ =	shalt  }
0x6c: {  	_ =	shalt  }
0x6d: {  	_ =	shalt  }
0x6e: {  	_ =	shalt  }
0x6f: {  	_ =	shalt  }
0x70: {  	_ =	shalt  }
0x71: {  	_ =	shalt  }
0x72: {  	_ =	shalt  }
0x73: {  	_ =	shalt  }
0x74: {  	_ =	shalt  }
0x75: {  	_ =	shalt  }
0x76: {  	_ =	shalt  }
0x77: {  	_ =	shalt  }
0x78: {  	_ =	shalt  }
0x79: {  	_ =	shalt  }
0x7a: {  	_ =	shalt  }
0x7b: {  	_ =	shalt  }
0x7c: {  	_ =	shalt  }
0x7d: {  	_ =	shalt  }
0x7e: {  	_ =	shalt  }
0x7f: {  	_ =	shalt  }
0x80: {  	_ =	shalt  }
0x81: {  	_ =	shalt  }
0x82: {  	_ =	shalt  }
0x83: {  	_ =	shalt  }
0x84: {  	_ =	shalt  }
0x85: {  	_ =	shalt  }
0x86: {  	_ =	shalt  }
0x87: {  	_ =	shalt  }
.Lfunc_end0:
.L_simem_size_0:
called_computation_lowered:
.L_overlay_start_0:
0x88: {  	s2 =	sld [smem:$0x3FD9]  }
0x89: {  	s3 =	sld [smem:$0x3FFE];
	_ =	sdelay $0x1  }
0x8a: {  	s1 =	srdreg.scid  }
0x8b: {  	s0 =	sand.u32 $0x1, s1  }
0x8c: {  	s18 =	sshll.u32 s0, $0xA;
	s2 =	sadd.s32 s3, s2  }
0x8d: {  	s2 =	sadd.s32 s2, s18  }
0x8e: {  	[smem:$0x3FC7] =	sst s2  }
0x8f: {  	_ = 	snop  }
0x90: {  	s2 =	sld [smem:$0x3FC9]  }
0x91: {  	s19 =	sld [smem:$0x3FD0];
	(tm) =	ssettm $0x1  }
0x92: {  	s4 =	sld [smem:$0x3FFB];
	_ =	sdelay $0x3  }
0x93: {  	_ =	strace s4  }
0x94: {  	s4 =	sld [smem:$0x3FFC];
	_ =	sdelay $0x3  }
0x95: {  	_ =	strace s4  }
0x96: {  	s4 =	sld [smem:$0x3FFD];
	_ =	sdelay $0x3  }
0x97: {  	_ =	strace s4  }
0x98: {  	_ =	strace $0x8FFFFFFF  }
0x99: {  	s20 =	sld [smem:$0x3FDB];
	_ =	sdelay $0x1  }
0x9a: {  	s5 =	simm.s32 $_scs_section_size  }
0x9b: {  	s6 =	simm.s32 $_size__tile_overlayer_lowered;
	s7 =	simm.s32 $_tile_overlayer_lowered  }
0x9c: {  	s23 =	simm.s32 $0x1BFF;
	s22 =	sshll.u32 s7, $0x1;
	s4 =	sadd.s32 s5, s20  }
0x9d: {  	s8 =	simm.s32 $0x0;
	s21 =	sshll.u32 s6, $0x1;
	s6 =	sadd.s32 s22, s4  }
0x9e: {  	[timem:s8], [sflag:s23] =	dma.local [hbm:s6], s21  }
0x9f: {  	_ =	swait.ge [sflag:s23], s21  }
0xa0: {  	s5 =	ssub.s32 $0x0, s21;
	[sflag:s23] =	ssyncset.done $0x0  }
0xa1: {  	[sflag:s23] =	ssyncadd.s32 s5;
	_ =	sdelay $0x1  }
0xa2: {  	s24 =	simm.s32 $0x1B8B  }
0xa3: {  	_ =	swait.ge [sflag:s24], $0x1  }
0xa4: {  	[sflag:s24] =	ssyncset.done $0x0  }
0xa5: {  	s25 =	simm.s32 $0x1B8E;
	[sflag:s24] =	ssyncadd.s32 $0xFFFFFFFF  }
0xa6: {  	s26 =	simm.s32 $execute0_lowered;
	[smem:$0x3FD2] =	sst s25  }
0xa7: {  	s5 =	sshll.u32 s26, $0x1;
	_ =	strace $0x80000046;
	[dreg:$0x1] =	wrdreg $0xFFFFFFFF  }
0xa8: {  	s28 =	simm.s32 $_size_execute0_lowered;
	s4 =	sadd.s32 s4, s5;
	[dreg:$0x0] =	wrdreg $0x0  }
0xa9: {  	s5 =	sshll.u32 s28, $0x1;
	[dreg:$0x2] =	wrdreg s4  }
0xaa: {  	[dreg:$0x3] =	wrdreg s5  }
0xab: {  	[dreg:$0x4] =	wrdreg $0xC0  }
0xac: {  	_ =	task [dreg:s8], $0x5FFFF  }
0xad: {  	[dreg:$0x1] =	wrdreg $0xFFFFFFFF  }
0xae: {  	[dreg:$0x0] =	wrdreg $0x60  }
0xaf: {  	[dreg:$0x2] =	wrdreg s2  }
0xb0: {  	[dreg:$0x3] =	wrdreg s19  }
0xb1: {  	[dreg:$0x4] =	wrdreg $0x9  }
0xb2: {  	_ =	task.clear_ibuf [dreg:s8], $0x5FFFF;
	_ =	strace $0x90000046  }
0xb3: {  	s29 =	simm.s32 $0x9;
	_ =	strace $0x80000048  }
0xb4: {  	_ =	swait.ge [sflag:s29], $0x1  }
0xb5: {  	[sflag:s29] =	ssyncadd.s32 $0xFFFFFFFF  }
0xb6: {  	_ =	strace $0x90000048  }
0xb7: {  	_ =	sfence  }
0xb8: {  	s30 =	sld [smem:$0x0];
	_ =	sdelay $0x2  }
0xb9: {  	s31 =	sshll.u32 s1, $0xD;
	s1 =	sshrl.u32 s1, $0x2  }
0xba: {  	s3 =	sand.u32 $0x4000, s31;
	s1 =	sadd.s32 s1, s30  }
0xbb: {  	s0 =	sor.u32 s3, s0;
	s1 =	sshll.u32 s1, $0x11  }
0xbc: {  	s0 =	sor.u32 s1, s0  }
0xbd: {  	s0 =	sadd.s32 $0x8F2B, s0  }
0xbe: {  	[sflag:s0] =	ssyncadd.remote.s32 $0x1  }
0xbf: {  	_ =	sfence.sel $0xFFFF  }
0xc0: {  	[dreg:$0x0] =	wrdreg $0xFFFFFFFF;
	(pc) =	sbr.abs _section_cstart, $3  }
0xc1: {  	[dreg:$0x1] =	wrdreg $0xFFFFFFFF  }
0xc2: {  	_ =	task.clear_ibuf [dreg:s8], $0x2FFFF;
	_ =	strace $0x9FFFFFFF  }
0xc3: {  	(tm) =	ssettm $0x7FFFFFFF  }
tec
execute0_lowered:
.L_overlay_start_1:
0x0: {  	(tag) =	ssettag $0x1  }
0x1: {  	s8 =	rddreg [dreg:$0x0]  }
0x2: {  	s10 =	rddreg [dreg:$0x1];
	s2 =	srdreg.scid  }
0x3: {  	s0 =	rddreg [dreg:$0x2];
	s1 =	stileid.u32  }
0x4: {  	s15 =	simm.s32 $0x1;
	s16 =	simm.s32 $0x3;
	s17 =	simm.s32 $0x2  }
0x5: {  	s18 =	simm.s32 $0x4;
	s19 =	simm.s32 $0x0;
	s3 =	sand.u32 $0x1, s2  }
0x6: {  	s2 =	simm.s32 $0x0;
	s4 =	sshll.u32 s1, $0xA;
	s5 =	sshll.u32 s3, $0x9  }
0x7: {  	[smem:$0x7FF] =	sst s2;
	s3 =	ssub.s32 $0x2, s3;
	s5 =	sor.u32 s5, s4  }
0x8: {  	_ =	strace $0x80000047;
	s29 =	sshrl.u32 s3, $0x1;
	s9 =	sshrl.u32 s5, $0x3  }
0x9: {  	v0 =	vimm.s32 $0xFEDCBA98;
	v1 =	vimm.s32 $0x76543201;
	s6 =	sshll.u32 s5, $0x9;
	s11 =	ssub.s32 s3, s29;
	s5 =	sshll.u32 s5, $0x4  }
0xa: {  	v0 =	vunpack.c.l.s4.s8 v0;
	v1 =	vunpack.c.l.s4.s8 v1;
	s7 =	sor.u32 $0x10, s9;
	s3 =	sadd.s32 s8, s6;
	s12 =	sor.u32 $0x20, s9  }
0xb: {  	s5 =	sadd.s32 s10, s5;
	s9 =	sor.u32 $0x30, s9;
	s11 =	smax.u32 s11, $0x1  }
0xc: {  	v0 =	vunpack.c.0.s8.s32 v0;
	v1 =	vunpack.c.0.s8.s32 v1;
	s30 =	sshll.u32 s7, $0xC;
	s31 =	sshll.u32 s12, $0xC;
	s7 =	sshll.u32 s7, $0x7  }
0xd: {  	s13 =	sshll.u32 s9, $0xC;
	s12 =	sshll.u32 s12, $0x7;
	s14 =	sshll.u32 s9, $0x7  }
0xe: {  	v0 =	vcombine.low v1, v0;
	s4 =	sadd.s32 s8, s30;
	s6 =	sadd.s32 s8, s31;
	s7 =	sadd.s32 s10, s7  }
0xf: {  	s8 =	sadd.s32 s8, s13;
	s9 =	sadd.s32 s10, s12;
	s10 =	sadd.s32 s10, s14  }
0x10: {  	s12 =	simm.s32 $0x400;
	s13 =	simm.s32 $0x8000;
	s14 =	simm.s32 $0x4000;
	v0 =	vand.u32 $0xF, v0  }
.LBB2_1:
0x11: {  	[tilespmem:s2], [sflag:$0x1] =	stream.strided.gather [hbm4b:s3+s12], $0x4000, s13, s12, $0x38;
	[tilespmem:$0x8000] =	vst v63  }
0x12: {  	_ = 	snop  }
0x13: {  	[tilespmem:s14], [sflag:$0x2] =	stream.strided.gather [hbm4b:s4+s12], $0x4000, s13, s12, $0x38;
	[tilespmem:$0x8000] =	vst v63  }
0x14: {  	_ =	swait.ge [sflag:s15], $0x4000  }
0x15: {  	[sflag:s15] =	ssyncset.done $0x0  }
0x16: {  	s20 =	simm.s32 $0x0;
	[sflag:s15] =	ssyncadd.s32 $0xFFFFC000  }
0x17: {  	v4 =	vld [tilespmem:s20+$0x0]  }
0x18: {  	v6 =	vld [tilespmem:s20+$0x80]  }
0x19: {  	v5 =	vld [tilespmem:s20+$0x100]  }
0x1a: {  	v3 =	vld [tilespmem:s20+$0x180]  }
0x1b: {  	v1 =	vld [tilespmem:s20+$0x200]  }
0x1c: {  	v2 =	vld [tilespmem:s20+$0x280];
	v7 =	vperm.xlane v4, v0  }
0x1d: {  	s21 =	simm.s32 $0x1000;
	v6 =	vperm.xlane v6, v0;
	v4 =	vld [tilespmem:s20+$0x300]  }
.LBB2_2:
0x1e: {  	s22 =	sshra.s32 s21, $0x2;
	p0 =	sne.s32 s21, $0xF000;
	[tilespmem:s20+$0x0] =	vst v7;
	v5 =	vperm.xlane v5, v0;
	v7 =	vld [tilespmem:s20+$0x380]  }
0x1f: {  	v8 =	vld [tilespmem:s22+$0x0];
	[tilespmem:s20+$0x80] =	vst v6;
	v3 =	vperm.xlane v3, v0  }
0x20: {  	v6 =	vld [tilespmem:s22+$0x80];
	[tilespmem:s20+$0x100] =	vst v5;
	v1 =	vperm.xlane v1, v0  }
.Ltmp0:
0x21: {  	v5 =	vld [tilespmem:s22+$0x100];
	[tilespmem:s20+$0x180] =	vst v3;
	v2 =	vperm.xlane v2, v0;
	(pc) =	sbr.rel @p0 .LBB2_2-.Ltmp0, $4  }
0x22: {  	v3 =	vld [tilespmem:s22+$0x180];
	[tilespmem:s20+$0x200] =	vst v1;
	v4 =	vperm.xlane v4, v0  }
0x23: {  	v1 =	vld [tilespmem:s22+$0x200];
	[tilespmem:s20+$0x280] =	vst v2;
	v9 =	vperm.xlane v7, v0  }
0x24: {  	v7 =	vperm.xlane v8, v0;
	v2 =	vld [tilespmem:s22+$0x280];
	[tilespmem:s20+$0x300] =	vst v4  }
0x25: {  	s21 =	sadd.s32 $0x1000, s21;
	v6 =	vperm.xlane v6, v0;
	v4 =	vld [tilespmem:s22+$0x300];
	[tilespmem:s20+$0x380] =	vst v9;
	s20 =	smov.u32 s22  }
0x26: {  	[tilespmem:s20+$0x0] =	vst v7;
	v5 =	vperm.xlane v5, v0;
	v7 =	vld [tilespmem:s20+$0x380]  }
0x27: {  	[tilespmem:s20+$0x80] =	vst v6;
	v3 =	vperm.xlane v3, v0  }
0x28: {  	[tilespmem:s20+$0x100] =	vst v5;
	v1 =	vperm.xlane v1, v0  }
0x29: {  	[tilespmem:s20+$0x180] =	vst v3;
	v2 =	vperm.xlane v2, v0  }
0x2a: {  	[tilespmem:s20+$0x200] =	vst v1;
	v1 =	vperm.xlane v4, v0  }
0x2b: {  	[tilespmem:s20+$0x280] =	vst v2;
	v2 =	vperm.xlane v7, v0  }
0x2c: {  	[tilespmem:s20+$0x300] =	vst v1  }
0x2d: {  	s31 =	simm.s32 $0x0;
	[tilespmem:s20+$0x380] =	vst v2  }
0x2e: {  	[hbm4b:s5+s31] =	stream.linear.scatter [tilespmem:s31], [sflag:$0x3], $0x4000, $0x38;
	[tilespmem:$0x8000] =	vst v63  }
0x2f: {  	_ =	swait.ge [sflag:s16], $0x4000  }
0x30: {  	[sflag:s16] =	ssyncset.done $0x0  }
0x31: {  	[sflag:s16] =	ssyncadd.s32 $0xFFFFC000  }
0x32: {  	[tilespmem:s31], [sflag:$0x1] =	stream.strided.gather [hbm4b:s6+s12], $0x4000, s13, s12, $0x38;
	[tilespmem:$0x8000] =	vst v63  }
0x33: {  	_ =	swait.ge [sflag:s17], $0x4000  }
0x34: {  	[sflag:s17] =	ssyncset.done $0x0  }
0x35: {  	s20 =	simm.s32 $0x0;
	[sflag:s17] =	ssyncadd.s32 $0xFFFFC000  }
0x36: {  	v4 =	vld [tilespmem:s20+$0x4000]  }
0x37: {  	v6 =	vld [tilespmem:s20+$0x4080]  }
0x38: {  	v5 =	vld [tilespmem:s20+$0x4100]  }
0x39: {  	v3 =	vld [tilespmem:s20+$0x4180]  }
0x3a: {  	v1 =	vld [tilespmem:s20+$0x4200]  }
0x3b: {  	v2 =	vld [tilespmem:s20+$0x4280];
	v7 =	vperm.xlane v4, v0  }
0x3c: {  	s21 =	simm.s32 $0x1000;
	v6 =	vperm.xlane v6, v0;
	v4 =	vld [tilespmem:s20+$0x4300]  }
.LBB2_4:
0x3d: {  	s22 =	sshra.s32 s21, $0x2;
	p0 =	sne.s32 s21, $0xF000;
	[tilespmem:s20+$0x4000] =	vst v7;
	v5 =	vperm.xlane v5, v0;
	v7 =	vld [tilespmem:s20+$0x4380]  }
0x3e: {  	v8 =	vld [tilespmem:s22+$0x4000];
	[tilespmem:s20+$0x4080] =	vst v6;
	v3 =	vperm.xlane v3, v0  }
0x3f: {  	v6 =	vld [tilespmem:s22+$0x4080];
	[tilespmem:s20+$0x4100] =	vst v5;
	v1 =	vperm.xlane v1, v0  }
.Ltmp1:
0x40: {  	v5 =	vld [tilespmem:s22+$0x4100];
	[tilespmem:s20+$0x4180] =	vst v3;
	v2 =	vperm.xlane v2, v0;
	(pc) =	sbr.rel @p0 .LBB2_4-.Ltmp1, $4  }
0x41: {  	v3 =	vld [tilespmem:s22+$0x4180];
	[tilespmem:s20+$0x4200] =	vst v1;
	v4 =	vperm.xlane v4, v0  }
0x42: {  	v1 =	vld [tilespmem:s22+$0x4200];
	[tilespmem:s20+$0x4280] =	vst v2;
	v9 =	vperm.xlane v7, v0  }
0x43: {  	v7 =	vperm.xlane v8, v0;
	v2 =	vld [tilespmem:s22+$0x4280];
	[tilespmem:s20+$0x4300] =	vst v4  }
0x44: {  	s21 =	sadd.s32 $0x1000, s21;
	v6 =	vperm.xlane v6, v0;
	v4 =	vld [tilespmem:s22+$0x4300];
	[tilespmem:s20+$0x4380] =	vst v9;
	s20 =	smov.u32 s22  }
0x45: {  	[tilespmem:s20+$0x4000] =	vst v7;
	v5 =	vperm.xlane v5, v0;
	v7 =	vld [tilespmem:s20+$0x4380]  }
0x46: {  	[tilespmem:s20+$0x4080] =	vst v6;
	v3 =	vperm.xlane v3, v0  }
0x47: {  	[tilespmem:s20+$0x4100] =	vst v5;
	v1 =	vperm.xlane v1, v0  }
0x48: {  	[tilespmem:s20+$0x4180] =	vst v3;
	v2 =	vperm.xlane v2, v0  }
0x49: {  	[tilespmem:s20+$0x4200] =	vst v1;
	v1 =	vperm.xlane v4, v0  }
0x4a: {  	[tilespmem:s20+$0x4280] =	vst v2;
	v2 =	vperm.xlane v7, v0  }
0x4b: {  	[tilespmem:s20+$0x4300] =	vst v1  }
0x4c: {  	s31 =	simm.s32 $0x0;
	[tilespmem:s20+$0x4380] =	vst v2  }
0x4d: {  	[hbm4b:s7+s31] =	stream.linear.scatter [tilespmem:s14], [sflag:$0x4], $0x4000, $0x38;
	[tilespmem:$0x8000] =	vst v63  }
0x4e: {  	_ =	swait.ge [sflag:s18], $0x4000  }
0x4f: {  	[sflag:s18] =	ssyncset.done $0x0  }
0x50: {  	[sflag:s18] =	ssyncadd.s32 $0xFFFFC000  }
0x51: {  	[tilespmem:s14], [sflag:$0x2] =	stream.strided.gather [hbm4b:s8+s12], $0x4000, s13, s12, $0x38;
	[tilespmem:$0x8000] =	vst v63  }
0x52: {  	_ =	swait.ge [sflag:s15], $0x4000  }
0x53: {  	[sflag:s15] =	ssyncset.done $0x0  }
0x54: {  	s20 =	simm.s32 $0x0;
	[sflag:s15] =	ssyncadd.s32 $0xFFFFC000  }
0x55: {  	v4 =	vld [tilespmem:s20+$0x0]  }
0x56: {  	v6 =	vld [tilespmem:s20+$0x80]  }
0x57: {  	v5 =	vld [tilespmem:s20+$0x100]  }
0x58: {  	v3 =	vld [tilespmem:s20+$0x180]  }
0x59: {  	v1 =	vld [tilespmem:s20+$0x200]  }
0x5a: {  	v2 =	vld [tilespmem:s20+$0x280];
	v7 =	vperm.xlane v4, v0  }
0x5b: {  	s21 =	simm.s32 $0x1000;
	v6 =	vperm.xlane v6, v0;
	v4 =	vld [tilespmem:s20+$0x300]  }
.LBB2_6:
0x5c: {  	s22 =	sshra.s32 s21, $0x2;
	p0 =	sne.s32 s21, $0xF000;
	[tilespmem:s20+$0x0] =	vst v7;
	v5 =	vperm.xlane v5, v0;
	v7 =	vld [tilespmem:s20+$0x380]  }
0x5d: {  	v8 =	vld [tilespmem:s22+$0x0];
	[tilespmem:s20+$0x80] =	vst v6;
	v3 =	vperm.xlane v3, v0  }
0x5e: {  	v6 =	vld [tilespmem:s22+$0x80];
	[tilespmem:s20+$0x100] =	vst v5;
	v1 =	vperm.xlane v1, v0  }
.Ltmp2:
0x5f: {  	v5 =	vld [tilespmem:s22+$0x100];
	[tilespmem:s20+$0x180] =	vst v3;
	v2 =	vperm.xlane v2, v0;
	(pc) =	sbr.rel @p0 .LBB2_6-.Ltmp2, $4  }
0x60: {  	v3 =	vld [tilespmem:s22+$0x180];
	[tilespmem:s20+$0x200] =	vst v1;
	v4 =	vperm.xlane v4, v0  }
0x61: {  	v1 =	vld [tilespmem:s22+$0x200];
	[tilespmem:s20+$0x280] =	vst v2;
	v9 =	vperm.xlane v7, v0  }
0x62: {  	v7 =	vperm.xlane v8, v0;
	v2 =	vld [tilespmem:s22+$0x280];
	[tilespmem:s20+$0x300] =	vst v4  }
0x63: {  	s21 =	sadd.s32 $0x1000, s21;
	v6 =	vperm.xlane v6, v0;
	v4 =	vld [tilespmem:s22+$0x300];
	[tilespmem:s20+$0x380] =	vst v9;
	s20 =	smov.u32 s22  }
0x64: {  	[tilespmem:s20+$0x0] =	vst v7;
	v5 =	vperm.xlane v5, v0;
	v7 =	vld [tilespmem:s20+$0x380]  }
0x65: {  	[tilespmem:s20+$0x80] =	vst v6;
	v3 =	vperm.xlane v3, v0  }
0x66: {  	[tilespmem:s20+$0x100] =	vst v5;
	v1 =	vperm.xlane v1, v0  }
0x67: {  	[tilespmem:s20+$0x180] =	vst v3;
	v2 =	vperm.xlane v2, v0  }
0x68: {  	[tilespmem:s20+$0x200] =	vst v1;
	v1 =	vperm.xlane v4, v0  }
0x69: {  	[tilespmem:s20+$0x280] =	vst v2;
	v2 =	vperm.xlane v7, v0  }
0x6a: {  	[tilespmem:s20+$0x300] =	vst v1  }
0x6b: {  	s31 =	simm.s32 $0x0;
	[tilespmem:s20+$0x380] =	vst v2  }
0x6c: {  	[hbm4b:s9+s31] =	stream.linear.scatter [tilespmem:s31], [sflag:$0x3], $0x4000, $0x38;
	[tilespmem:$0x8000] =	vst v63  }
0x6d: {  	_ =	swait.ge [sflag:s17], $0x4000  }
0x6e: {  	[sflag:s17] =	ssyncset.done $0x0  }
0x6f: {  	s20 =	simm.s32 $0x0;
	[sflag:s17] =	ssyncadd.s32 $0xFFFFC000  }
0x70: {  	v4 =	vld [tilespmem:s20+$0x4000]  }
0x71: {  	v6 =	vld [tilespmem:s20+$0x4080]  }
0x72: {  	v5 =	vld [tilespmem:s20+$0x4100]  }
0x73: {  	v3 =	vld [tilespmem:s20+$0x4180]  }
0x74: {  	v1 =	vld [tilespmem:s20+$0x4200]  }
0x75: {  	v2 =	vld [tilespmem:s20+$0x4280];
	v7 =	vperm.xlane v4, v0  }
0x76: {  	s21 =	simm.s32 $0x1000;
	v6 =	vperm.xlane v6, v0;
	v4 =	vld [tilespmem:s20+$0x4300]  }
.LBB2_8:
0x77: {  	s22 =	sshra.s32 s21, $0x2;
	p0 =	sne.s32 s21, $0xF000;
	[tilespmem:s20+$0x4000] =	vst v7;
	v5 =	vperm.xlane v5, v0;
	v7 =	vld [tilespmem:s20+$0x4380]  }
0x78: {  	v8 =	vld [tilespmem:s22+$0x4000];
	[tilespmem:s20+$0x4080] =	vst v6;
	v3 =	vperm.xlane v3, v0  }
0x79: {  	v6 =	vld [tilespmem:s22+$0x4080];
	[tilespmem:s20+$0x4100] =	vst v5;
	v1 =	vperm.xlane v1, v0  }
.Ltmp3:
0x7a: {  	v5 =	vld [tilespmem:s22+$0x4100];
	[tilespmem:s20+$0x4180] =	vst v3;
	v2 =	vperm.xlane v2, v0;
	(pc) =	sbr.rel @p0 .LBB2_8-.Ltmp3, $4  }
0x7b: {  	v3 =	vld [tilespmem:s22+$0x4180];
	[tilespmem:s20+$0x4200] =	vst v1;
	v4 =	vperm.xlane v4, v0  }
0x7c: {  	v1 =	vld [tilespmem:s22+$0x4200];
	[tilespmem:s20+$0x4280] =	vst v2;
	v9 =	vperm.xlane v7, v0  }
0x7d: {  	v7 =	vperm.xlane v8, v0;
	v2 =	vld [tilespmem:s22+$0x4280];
	[tilespmem:s20+$0x4300] =	vst v4  }
0x7e: {  	s21 =	sadd.s32 $0x1000, s21;
	v6 =	vperm.xlane v6, v0;
	v4 =	vld [tilespmem:s22+$0x4300];
	[tilespmem:s20+$0x4380] =	vst v9;
	s20 =	smov.u32 s22  }
0x7f: {  	[tilespmem:s20+$0x4000] =	vst v7;
	v5 =	vperm.xlane v5, v0;
	v63 =	vld [tilespmem:s20+$0x4380]  }
0x80: {  	[tilespmem:s20+$0x4080] =	vst v6;
	v3 =	vperm.xlane v3, v0  }
0x81: {  	[tilespmem:s20+$0x4100] =	vst v5;
	v1 =	vperm.xlane v1, v0  }
0x82: {  	[tilespmem:s20+$0x4180] =	vst v3;
	v2 =	vperm.xlane v2, v0  }
0x83: {  	[tilespmem:s20+$0x4200] =	vst v1;
	v1 =	vperm.xlane v4, v0  }
0x84: {  	[tilespmem:s20+$0x4280] =	vst v2;
	v2 =	vperm.xlane v63, v0  }
0x85: {  	[tilespmem:s20+$0x4300] =	vst v1  }
0x86: {  	s19 =	sadd.s32 $0x1, s19;
	[tilespmem:s20+$0x4380] =	vst v2  }
0x87: {  	[hbm4b:s10+s2] =	stream.linear.scatter [tilespmem:s14], [sflag:$0x4], $0x4000, $0x38;
	[tilespmem:$0x8000] =	vst v63  }
0x88: {  	p0 =	sne.s32 s19, s11;
	_ =	swait.ge [sflag:s16], $0x4000  }
.Ltmp4:
0x89: {  	[sflag:s16] =	ssyncset.done $0x0;
	(pc) =	sbr.rel @p0 .LBB2_1-.Ltmp4, $4  }
0x8a: {  	[sflag:s16] =	ssyncadd.s32 $0xFFFFC000  }
0x8b: {  	_ =	swait.ge [sflag:s18], $0x4000  }
0x8c: {  	[sflag:s18] =	ssyncset.done $0x0  }
0x8d: {  	[sflag:s18] =	ssyncadd.s32 $0xFFFFC000  }
0x8e: {  	_ =	sfence.sel $0x180000  }
0x8f: {  	[bflag:$0x0] =	sbarrier.arrive $0xFFFF  }
0x90: {  	p0 =	sne.s32 s1, $0x0;
	_ =	strace $0x90000047  }
0x91: {  	s0 =	sadd.s32 @!p0 $0x100000, s0;
	[bflag:$0x2] =	sbarrier.arrive $0xFFFF  }
0x92: {  	[sflag:s0] =	ssyncadd.tile.s32 @!p0 $0x1;
	_ =	shalt  }
.Lfunc_end2:
_tile_overlayer_lowered:
.L_overlay_start_2:
0x93: {  	(tag) =	ssettag $0x2  }
0x94: {  	s0 =	rddreg [dreg:$0x0];
	s2 =	stileid.u32  }
0x95: {  	s1 =	rddreg [dreg:$0x1];
	p0 =	sne.s32 s2, $0x0  }
0x96: {  	s3 =	rddreg [dreg:$0x2];
	[bflag:$0x3] =	sbarrier.arrive $0xFFFF;
	s2 =	simm.s32 @!p0 $0x1C05  }
0x97: {  	[timem:s3], [sflag:s2] =	dma.local @!p0 [hbm:s0], s1  }
0x98: {  	s0 =	simm.s32 @!p0 $0x5  }
0x99: {  	_ =	swait.ge @!p0 [sflag:s0], s1  }
0x9a: {  	s1 =	ssub.s32 @!p0 $0x0, s1;
	[sflag:s0] =	ssyncset.done @!p0 $0x0  }
0x9b: {  	[sflag:s0] =	ssyncadd.s32 @!p0 s1  }
0x9c: {  	[bflag:$0x3] =	sbarrier.arrive $0xFFFF  }
0x9d: {  	_ =	shalt  }

</sc_bundles>
